<compile_context>
chip_gen: v7x
topology: tpu7x:2x2x1
jax: 0.10.2.dev20260603
libtpu: 0.0.44.dev20260713+nightly
codegen_flags: <defaults>
</compile_context>

<pallas_src>
import functools

import jax
import jax.numpy as jnp
from jax import lax
from jax.experimental import pallas as pl
from jax.experimental.pallas import tpu as pltpu
from jax.experimental.pallas import tpu_sc as plsc

N = 10000
E = 320000
NEG = 0.2

NC = 2
NS = 16
K = 128
TCH = E // K
CPT = TCH // NS
REM = TCH % NS
NPAIR = (CPT + 2) // 2

RPT = 624
TAIL = N - NS * RPT
ZR = RPT // 4

BN = 1000


def _lrelu(v):
    return jnp.where(v >= 0.0, v, v * NEG)


def _vgather(vec, idx):
    return lax.gather(
        vec, idx[:, None],
        dimension_numbers=lax.GatherDimensionNumbers(
            offset_dims=(), collapsed_slice_dims=(0,), start_index_map=(0,)),
        slice_sizes=(1,),
        mode=lax.GatherScatterMode.PROMISE_IN_BOUNDS)


def _prep_body(x_ref, w_ref, as_ref, ad_ref, hs_ref, asp_ref, adp_ref):
    h = jnp.dot(x_ref[...], w_ref[...], preferred_element_type=jnp.float32)
    hs_ref[...] = jnp.stack([h[:, :64], h[:, 64:]], axis=0)
    asp_ref[...] = jnp.dot(h, as_ref[...], preferred_element_type=jnp.float32)
    adp_ref[...] = jnp.dot(h, ad_ref[...], preferred_element_type=jnp.float32)


_prep = pl.pallas_call(
    _prep_body,
    grid=(N // BN,),
    in_specs=[
        pl.BlockSpec((BN, 128), lambda i: (i, 0)),
        pl.BlockSpec((128, 128), lambda i: (0, 0)),
        pl.BlockSpec((128, 16), lambda i: (0, 0)),
        pl.BlockSpec((128, 16), lambda i: (0, 0)),
    ],
    out_specs=[
        pl.BlockSpec((2, BN, 64), lambda i: (0, i, 0)),
        pl.BlockSpec((BN, 16), lambda i: (i, 0)),
        pl.BlockSpec((BN, 16), lambda i: (i, 0)),
    ],
    out_shape=[
        jax.ShapeDtypeStruct((2, N, 64), jnp.float32),
        jax.ShapeDtypeStruct((N, 16), jnp.float32),
        jax.ShapeDtypeStruct((N, 16), jnp.float32),
    ],
)


@functools.partial(
    pl.kernel,
    out_type=[
        jax.ShapeDtypeStruct((N, 128), jnp.float32),
        jax.ShapeDtypeStruct((N, 32), jnp.float32),
    ],
    mesh=plsc.VectorSubcoreMesh(core_axis_name="c", subcore_axis_name="s"),
    compiler_params=pltpu.CompilerParams(use_tc_tiling_on_sc=False),
    scratch_types=[
        pltpu.VMEM((K,), jnp.int32), pltpu.VMEM((K,), jnp.int32),
        pltpu.VMEM((K,), jnp.int32),
        pltpu.VMEM((K, 16), jnp.float32), pltpu.VMEM((K, 16), jnp.float32),
        pltpu.VMEM((K, 64), jnp.float32), pltpu.VMEM((K, 16), jnp.float32),
        pltpu.VMEM((K,), jnp.int32), pltpu.VMEM((K,), jnp.int32),
        pltpu.VMEM((K,), jnp.int32),
        pltpu.VMEM((K, 16), jnp.float32), pltpu.VMEM((K, 16), jnp.float32),
        pltpu.VMEM((K, 64), jnp.float32), pltpu.VMEM((K, 16), jnp.float32),
        pltpu.VMEM((ZR, 64), jnp.float32),
        pltpu.VMEM((ZR, 16), jnp.float32),
        pltpu.VMEM_SHARED((N, 64), jnp.float32),
        pltpu.VMEM_SHARED((N, 16), jnp.float32),
        pltpu.SemaphoreType.DMA, pltpu.SemaphoreType.DMA,
        pltpu.SemaphoreType.DMA, pltpu.SemaphoreType.DMA,
        pltpu.SemaphoreType.DMA, pltpu.SemaphoreType.DMA,
        pltpu.SemaphoreType.DMA, pltpu.SemaphoreType.DMA,
        pltpu.SemaphoreType.DMA, pltpu.SemaphoreType.DMA,
    ],
)
def _edge_kernel(hs_hbm, as_hbm, ad_hbm, src_hbm, dst_hbm,
                 msg_out, den_out,
                 src0, dst0, soff0, g10, g20, h0, w0,
                 src1, dst1, soff1, g11, g21, h1, w1,
                 zmsg_v, zden_v, msg_acc, den_acc,
                 ss0, sd0, s10, s20, sh0,
                 ss1, sd1, s11, s21, sh1):
    cid = lax.axis_index("c")
    sid = lax.axis_index("s")

    srcv = (src0, src1)
    dstv = (dst0, dst1)
    soffv = (soff0, soff1)
    g1v = (g10, g11)
    g2v = (g20, g21)
    hv = (h0, h1)
    wv = (w0, w1)
    sems = ((ss0, sd0, s10, s20, sh0), (ss1, sd1, s11, s21, sh1))

    zero = jnp.zeros((16,), jnp.float32)

    @plsc.parallel_loop(0, ZR)
    def _zf(r):
        for cc in range(4):
            zmsg_v[r, pl.ds(cc * 16, 16)] = zero
        zden_v[r, :] = zero

    rb = sid * RPT
    for q in range(4):
        pltpu.sync_copy(zmsg_v, msg_acc.at[pl.ds(rb + q * ZR, ZR)])
        pltpu.sync_copy(zden_v, den_acc.at[pl.ds(rb + q * ZR, ZR)])

    @pl.when(sid == 0)
    def _zero_tail():
        pltpu.sync_copy(zmsg_v.at[pl.ds(0, TAIL)], msg_acc.at[pl.ds(NS * RPT, TAIL)])
        pltpu.sync_copy(zden_v.at[pl.ds(0, TAIL)], den_acc.at[pl.ds(NS * RPT, TAIL)])

    plsc.subcore_barrier()

    nch = CPT + jnp.where(sid < REM, 1, 0)
    coff = cid * N

    def idx_off(i):
        c = sid + jnp.minimum(i, nch - 1) * NS
        return c * K

    def idx_issue(b, i):
        off = idx_off(i)
        pltpu.async_copy(src_hbm.at[pl.ds(off, K)], srcv[b], sems[b][0])
        pltpu.async_copy(dst_hbm.at[pl.ds(off, K)], dstv[b], sems[b][1])

    def idx_wait(b, i):
        off = idx_off(i)
        pltpu.make_async_copy(src_hbm.at[pl.ds(off, K)], srcv[b], sems[b][0]).wait()
        pltpu.make_async_copy(dst_hbm.at[pl.ds(off, K)], dstv[b], sems[b][1]).wait()

    def g_issue(b):
        for q in range(K // 16):
            soffv[b][pl.ds(q * 16, 16)] = srcv[b][pl.ds(q * 16, 16)] + coff
        pltpu.async_copy(as_hbm.at[srcv[b]], g1v[b], sems[b][2])
        pltpu.async_copy(ad_hbm.at[dstv[b]], g2v[b], sems[b][3])
        pltpu.async_copy(hs_hbm.at[soffv[b]], hv[b], sems[b][4])

    def g_wait(b):
        pltpu.make_async_copy(as_hbm.at[srcv[b]], g1v[b], sems[b][2]).wait()
        pltpu.make_async_copy(ad_hbm.at[dstv[b]], g2v[b], sems[b][3]).wait()
        pltpu.make_async_copy(hs_hbm.at[soffv[b]], hv[b], sems[b][4]).wait()

    lanes = [jnp.broadcast_to(cid * 4 + h4, (16,)) for h4 in range(4)]

    def compute(b):
        g1r, g2r, hr, wr = g1v[b], g2v[b], hv[b], wv[b]

        @plsc.parallel_loop(0, K, unroll=4)
        def _body(r):
            v = g1r[r, :] + g2r[r, :]
            w = jnp.exp(_lrelu(v))
            wr[r, :] = w
            for h4 in range(4):
                sl = pl.ds(h4 * 16, 16)
                hr[r, sl] = hr[r, sl] * _vgather(w, lanes[h4])

    idx_issue(0, 0)
    idx_issue(1, 1)
    idx_wait(0, 0)
    g_issue(0)

    def pair(p, _):
        for b in (0, 1):
            i = 2 * p + b
            g_wait(b)
            idx_wait(1 - b, i + 1)
            g_issue(1 - b)
            compute(b)

            @pl.when(i < nch)
            def _scatter():
                pltpu.sync_copy(wv[b], den_acc.at[dstv[b]], add=True)
                pltpu.sync_copy(hv[b], msg_acc.at[dstv[b]], add=True)

            idx_issue(b, i + 2)
        return 0

    lax.fori_loop(0, NPAIR, pair, 0)
    plsc.subcore_barrier()

    mcol = cid * 64
    dcol = cid * 16
    pltpu.sync_copy(msg_acc.at[pl.ds(rb, RPT)],
                    msg_out.at[pl.ds(rb, RPT), pl.ds(mcol, 64)])
    pltpu.sync_copy(den_acc.at[pl.ds(rb, RPT)],
                    den_out.at[pl.ds(rb, RPT), pl.ds(dcol, 16)])

    @pl.when(sid == 0)
    def _write_tail():
        pltpu.sync_copy(msg_acc.at[pl.ds(NS * RPT, TAIL)],
                        msg_out.at[pl.ds(NS * RPT, TAIL), pl.ds(mcol, 64)])
        pltpu.sync_copy(den_acc.at[pl.ds(NS * RPT, TAIL)],
                        den_out.at[pl.ds(NS * RPT, TAIL), pl.ds(dcol, 16)])


def _final_body(m_ref, h0_ref, h1_ref, den_ref, asp_ref, adp_ref,
                bias_ref, rexp_ref, out_ref):
    ws = jnp.exp(_lrelu(asp_ref[...] + adp_ref[...]))
    den16 = den_ref[...][:, :16] + ws
    h = jnp.concatenate([h0_ref[...], h1_ref[...]], axis=1)
    msg = m_ref[...]
    rexp = rexp_ref[...]
    wexp = jnp.dot(ws, rexp, preferred_element_type=jnp.float32)
    dexp = jnp.dot(den16, rexp, preferred_element_type=jnp.float32)
    o = (msg + h * wexp) / dexp + bias_ref[...]
    o = jnp.maximum(o, 0.0)
    z = o - jnp.max(o, axis=1, keepdims=True)
    out_ref[...] = z - jnp.log(jnp.sum(jnp.exp(z), axis=1, keepdims=True))


_final = pl.pallas_call(
    _final_body,
    grid=(N // BN,),
    in_specs=[
        pl.BlockSpec((BN, 128), lambda i: (i, 0)),
        pl.BlockSpec((BN, 64), lambda i: (i, 0)),
        pl.BlockSpec((BN, 64), lambda i: (i, 0)),
        pl.BlockSpec((BN, 32), lambda i: (i, 0)),
        pl.BlockSpec((BN, 16), lambda i: (i, 0)),
        pl.BlockSpec((BN, 16), lambda i: (i, 0)),
        pl.BlockSpec((1, 128), lambda i: (0, 0)),
        pl.BlockSpec((16, 128), lambda i: (0, 0)),
    ],
    out_specs=pl.BlockSpec((BN, 128), lambda i: (i, 0)),
    out_shape=jax.ShapeDtypeStruct((N, 128), jnp.float32),
)


def kernel(x, edge_index, W, att_src, att_dst, bias):
    heads_of_row = jnp.arange(128, dtype=jnp.int32) // 16
    sel = (heads_of_row[:, None] == jnp.arange(16, dtype=jnp.int32)[None, :])
    sel = sel.astype(jnp.float32)
    A_s = att_src.reshape(128)[:, None] * sel
    A_d = att_dst.reshape(128)[:, None] * sel

    R = sel.T

    hs, asp, adp = _prep(x, W, A_s, A_d)
    msg, den = _edge_kernel(hs.reshape(2 * N, 64), asp, adp,
                            edge_index[0], edge_index[1])
    out = _final(msg, hs[0], hs[1], den, asp, adp,
                 bias.reshape(1, 128), R)
    return out

# --- scband reference (transcript-rebuilt; emitter-appended) ---
"""Pipeline reference for scband-gatmodel-59330678226974 (READ-ONLY COPY).

The authoritative reference and input builder live on the scoring server;
editing this copy changes nothing except your own understanding.
"""

import jax, jax.numpy as jnp
import numpy as np

N = 10000
E = 320000
D_IN = 128
HEADS = 8
C = 16
NEG_SLOPE = 0.2


def setup_inputs(seed: int = 0) -> dict:
    key = jax.random.key(seed)
    ks = jax.random.split(key, 6)
    x = jax.random.normal(ks[0], (N, D_IN), dtype=jnp.float32)
    edge_index = jax.random.randint(ks[1], (2, E), 0, N, dtype=jnp.int32)
    W = jax.random.normal(ks[2], (D_IN, HEADS * C), dtype=jnp.float32) * (1.0 / np.sqrt(D_IN))
    att_src = jax.random.normal(ks[3], (HEADS, C), dtype=jnp.float32) * 0.1
    att_dst = jax.random.normal(ks[4], (HEADS, C), dtype=jnp.float32) * 0.1
    bias = jnp.zeros((HEADS * C,), dtype=jnp.float32)
    return {"x": x, "edge_index": edge_index, "W": W, "att_src": att_src, "att_dst": att_dst, "bias": bias}


def _gat_conv(x, src, dst, W, att_src, att_dst, bias):
    n = x.shape[0]
    h = (x @ W).reshape(n, HEADS, C)
    a_src = jnp.sum(h * att_src[None, :, :], axis=-1)  # [n, H]
    a_dst = jnp.sum(h * att_dst[None, :, :], axis=-1)  # [n, H]
    e = a_src[src] + a_dst[dst]                        # [E', H]
    e = jax.nn.leaky_relu(e, NEG_SLOPE)
    # softmax over incoming edges per destination node
    e_max = jax.ops.segment_max(e, dst, num_segments=n)
    e_exp = jnp.exp(e - e_max[dst])
    denom = jax.ops.segment_sum(e_exp, dst, num_segments=n)
    alpha = e_exp / (denom[dst] + 1e-16)               # [E', H]
    msg = h[src] * alpha[:, :, None]                   # [E', H, C]
    out = jax.ops.segment_sum(msg, dst, num_segments=n)
    out = out.reshape(n, HEADS * C) + bias
    return out


def reference(x, edge_index, W, att_src, att_dst, bias):
    n = x.shape[0]
    # GATConv adds self-loops by default
    loops = jnp.arange(n, dtype=edge_index.dtype)
    src = jnp.concatenate([edge_index[0], loops])
    dst = jnp.concatenate([edge_index[1], loops])
    # forward loop over self.convs (n_hidden_layers=1 -> single GATConv)
    # dropout(p=0.2) is identity in eval mode
    h = _gat_conv(x, src, dst, W, att_src, att_dst, bias)
    h = jax.nn.relu(h)
    return jax.nn.log_softmax(h, axis=1)

if __name__ == "__main__":
    import jax
    _d = setup_inputs()
    print(jax.jit(kernel)(*tuple(_d.values())))

</pallas_src>

<mosaic_0001>
#map = affine_map<(d0, d1) -> (0, 0)>
#map1 = affine_map<(d0, d1) -> (0)>
module attributes {stable_mosaic.version = 14 : i64} {
  func.func @_edge_kernel(%arg0: i32, %arg1: i32, %arg2: memref<20000x64xf32, #tpu.memory_space<hbm>>, %arg3: memref<10000x16xf32, #tpu.memory_space<hbm>>, %arg4: memref<10000x16xf32, #tpu.memory_space<hbm>>, %arg5: memref<320000xi32, #tpu.memory_space<hbm>>, %arg6: memref<320000xi32, #tpu.memory_space<hbm>>, %arg7: memref<10000x128xf32, #tpu.memory_space<hbm>>, %arg8: memref<10000x32xf32, #tpu.memory_space<hbm>>, %arg9: memref<128xi32, #tpu.memory_space<vmem>>, %arg10: memref<128xi32, #tpu.memory_space<vmem>>, %arg11: memref<128xi32, #tpu.memory_space<vmem>>, %arg12: memref<128x16xf32, #tpu.memory_space<vmem>>, %arg13: memref<128x16xf32, #tpu.memory_space<vmem>>, %arg14: memref<128x64xf32, #tpu.memory_space<vmem>>, %arg15: memref<128x16xf32, #tpu.memory_space<vmem>>, %arg16: memref<128xi32, #tpu.memory_space<vmem>>, %arg17: memref<128xi32, #tpu.memory_space<vmem>>, %arg18: memref<128xi32, #tpu.memory_space<vmem>>, %arg19: memref<128x16xf32, #tpu.memory_space<vmem>>, %arg20: memref<128x16xf32, #tpu.memory_space<vmem>>, %arg21: memref<128x64xf32, #tpu.memory_space<vmem>>, %arg22: memref<128x16xf32, #tpu.memory_space<vmem>>, %arg23: memref<156x64xf32, #tpu.memory_space<vmem>>, %arg24: memref<156x16xf32, #tpu.memory_space<vmem>>, %arg25: memref<10000x64xf32, #tpu.memory_space<vmem_shared>>, %arg26: memref<10000x16xf32, #tpu.memory_space<vmem_shared>>, %arg27: memref<!tpu.dma_semaphore, #tpu.memory_space<semaphore_mem>>, %arg28: memref<!tpu.dma_semaphore, #tpu.memory_space<semaphore_mem>>, %arg29: memref<!tpu.dma_semaphore, #tpu.memory_space<semaphore_mem>>, %arg30: memref<!tpu.dma_semaphore, #tpu.memory_space<semaphore_mem>>, %arg31: memref<!tpu.dma_semaphore, #tpu.memory_space<semaphore_mem>>, %arg32: memref<!tpu.dma_semaphore, #tpu.memory_space<semaphore_mem>>, %arg33: memref<!tpu.dma_semaphore, #tpu.memory_space<semaphore_mem>>, %arg34: memref<!tpu.dma_semaphore, #tpu.memory_space<semaphore_mem>>, %arg35: memref<!tpu.dma_semaphore, #tpu.memory_space<semaphore_mem>>, %arg36: memref<!tpu.dma_semaphore, #tpu.memory_space<semaphore_mem>>) attributes {dimension_semantics = [#tpu.dimension_semantics<core_parallel>, #tpu.dimension_semantics<subcore_parallel>], iteration_bounds = array<i64: 2, 16>, scalar_prefetch = 0 : i64, scratch_operands = 28 : i64, tpu.core_type = #tpu.core_type<sc_vector_subcore>, window_params = [{transform_indices = #map}, {transform_indices = #map}, {transform_indices = #map}, {transform_indices = #map1}, {transform_indices = #map1}, {transform_indices = #map}, {transform_indices = #map}]} {
    %broadcast_in_dim3A = arith.constant 0.000000e+00 : f32
    %broadcast_in_dim3A_0 = vector.broadcast %broadcast_in_dim3A : f32 to vector<16xf32>
    %parallel_loop3A = arith.constant 0 : i32
    %parallel_loop3A_1 = arith.constant 156 : i32
    %parallel_loop3A_2 = arith.constant 1 : i32
    scf.for %parallel_loop3A_177 = %parallel_loop3A to %parallel_loop3A_1 step %parallel_loop3A_2  : i32 {
      %parallel_loop3A_178 = arith.index_cast %parallel_loop3A_177 : i32 to index
      %parallel_loop3A_179 = arith.constant 0 : index
      %parallel_loop3A_180 = tpu.vector_load %arg23[%parallel_loop3A_178, %parallel_loop3A_179] {strides = array<i32>} : memref<156x64xf32, #tpu.memory_space<vmem>>, vector<1x16xf32>,
      %parallel_loop3A_181 = vector.shape_cast %parallel_loop3A_180 : vector<1x16xf32> to vector<16xf32>
      %parallel_loop3A_182 = vector.shape_cast %broadcast_in_dim3A_0 : vector<16xf32> to vector<1x16xf32>
      tpu.vector_store %arg23[%parallel_loop3A_178, %parallel_loop3A_179], %parallel_loop3A_182 {strides = array<i32>} : memref<156x64xf32, #tpu.memory_space<vmem>>, vector<1x16xf32>,
      %parallel_loop3A_183 = arith.index_cast %parallel_loop3A_177 : i32 to index
      %parallel_loop3A_184 = arith.constant 16 : index
      %parallel_loop3A_185 = tpu.vector_load %arg23[%parallel_loop3A_183, %parallel_loop3A_184] {strides = array<i32>} : memref<156x64xf32, #tpu.memory_space<vmem>>, vector<1x16xf32>,
      %parallel_loop3A_186 = vector.shape_cast %parallel_loop3A_185 : vector<1x16xf32> to vector<16xf32>
      %parallel_loop3A_187 = vector.shape_cast %broadcast_in_dim3A_0 : vector<16xf32> to vector<1x16xf32>
      tpu.vector_store %arg23[%parallel_loop3A_183, %parallel_loop3A_184], %parallel_loop3A_187 {strides = array<i32>} : memref<156x64xf32, #tpu.memory_space<vmem>>, vector<1x16xf32>,
      %parallel_loop3A_188 = arith.index_cast %parallel_loop3A_177 : i32 to index
      %parallel_loop3A_189 = arith.constant 32 : index
      %parallel_loop3A_190 = tpu.vector_load %arg23[%parallel_loop3A_188, %parallel_loop3A_189] {strides = array<i32>} : memref<156x64xf32, #tpu.memory_space<vmem>>, vector<1x16xf32>,
      %parallel_loop3A_191 = vector.shape_cast %parallel_loop3A_190 : vector<1x16xf32> to vector<16xf32>
      %parallel_loop3A_192 = vector.shape_cast %broadcast_in_dim3A_0 : vector<16xf32> to vector<1x16xf32>
      tpu.vector_store %arg23[%parallel_loop3A_188, %parallel_loop3A_189], %parallel_loop3A_192 {strides = array<i32>} : memref<156x64xf32, #tpu.memory_space<vmem>>, vector<1x16xf32>,
      %parallel_loop3A_193 = arith.index_cast %parallel_loop3A_177 : i32 to index
      %parallel_loop3A_194 = arith.constant 48 : index
      %parallel_loop3A_195 = tpu.vector_load %arg23[%parallel_loop3A_193, %parallel_loop3A_194] {strides = array<i32>} : memref<156x64xf32, #tpu.memory_space<vmem>>, vector<1x16xf32>,
      %parallel_loop3A_196 = vector.shape_cast %parallel_loop3A_195 : vector<1x16xf32> to vector<16xf32>
      %parallel_loop3A_197 = vector.shape_cast %broadcast_in_dim3A_0 : vector<16xf32> to vector<1x16xf32>
      tpu.vector_store %arg23[%parallel_loop3A_193, %parallel_loop3A_194], %parallel_loop3A_197 {strides = array<i32>} : memref<156x64xf32, #tpu.memory_space<vmem>>, vector<1x16xf32>,
      %parallel_loop3A_198 = arith.index_cast %parallel_loop3A_177 : i32 to index
      %parallel_loop3A_199 = arith.constant 0 : index
      %parallel_loop3A_200 = tpu.vector_load %arg24[%parallel_loop3A_198, %parallel_loop3A_199] {strides = array<i32>} : memref<156x16xf32, #tpu.memory_space<vmem>>, vector<1x16xf32>,
      %parallel_loop3A_201 = vector.shape_cast %parallel_loop3A_200 : vector<1x16xf32> to vector<16xf32>
      %parallel_loop3A_202 = vector.shape_cast %broadcast_in_dim3A_0 : vector<16xf32> to vector<1x16xf32>
      tpu.vector_store %arg24[%parallel_loop3A_198, %parallel_loop3A_199], %parallel_loop3A_202 {strides = array<i32>} : memref<156x16xf32, #tpu.memory_space<vmem>>, vector<1x16xf32>,
    } {sc.loop_unroll_factor = 1 : i64, sc.parallel_access}
    %mul3A = arith.constant 624 : i32
    %mul3A_3 = arith.muli %arg1, %mul3A : i32
    %add3A = arith.constant 0 : i32
    %add3A_4 = arith.addi %mul3A_3, %add3A : i32
    "tpu.region"() ({
      %run_scoped3A = tpu.sem_alloc : memref<!tpu.dma_semaphore, #tpu.memory_space<semaphore_mem>>
      %dma_start3A_177 = arith.constant 0 : i32
      %dma_start3A_178 = tpu.memref_slice %arg25[%add3A_4, %dma_start3A_177] : memref<10000x64xf32, #tpu.memory_space<vmem_shared>> -> memref<156x64xf32, #tpu.memory_space<vmem_shared>>
      %dma_start3A_179 = arith.constant 0 : i32
      %dma_start3A_180 = tpu.memref_slice %arg25[%add3A_4, %dma_start3A_179] : memref<10000x64xf32, #tpu.memory_space<vmem_shared>> -> memref<156x64xf32, #tpu.memory_space<vmem_shared>>
      tpu.enqueue_dma source(%arg23 : memref<156x64xf32, #tpu.memory_space<vmem>>) target(%dma_start3A_180 : memref<156x64xf32, #tpu.memory_space<vmem_shared>>) target_semaphore(%run_scoped3A : memref<!tpu.dma_semaphore, #tpu.memory_space<semaphore_mem>>)
      %dma_wait3A_181 = arith.constant 0 : i32
      %dma_wait3A_182 = tpu.memref_slice %arg25[%add3A_4, %dma_wait3A_181] : memref<10000x64xf32, #tpu.memory_space<vmem_shared>> -> memref<156x64xf32, #tpu.memory_space<vmem_shared>>
      %dma_wait3A_183 = arith.constant 0 : i32
      %dma_wait3A_184 = tpu.memref_slice %arg25[%add3A_4, %dma_wait3A_183] : memref<10000x64xf32, #tpu.memory_space<vmem_shared>> -> memref<156x64xf32, #tpu.memory_space<vmem_shared>>
      tpu.wait_dma2 semaphore(%run_scoped3A : memref<!tpu.dma_semaphore, #tpu.memory_space<semaphore_mem>>) src(%arg23 : memref<156x64xf32, #tpu.memory_space<vmem>>) dst(%dma_wait3A_184 : memref<156x64xf32, #tpu.memory_space<vmem_shared>>)
      tpu.yield
    }) : () -> ()
    %add3A_5 = arith.constant 0 : i32
    %add3A_6 = arith.addi %mul3A_3, %add3A_5 : i32
    "tpu.region"() ({
      %run_scoped3A = tpu.sem_alloc : memref<!tpu.dma_semaphore, #tpu.memory_space<semaphore_mem>>
      %dma_start3A_177 = arith.constant 0 : i32
      %dma_start3A_178 = tpu.memref_slice %arg26[%add3A_6, %dma_start3A_177] : memref<10000x16xf32, #tpu.memory_space<vmem_shared>> -> memref<156x16xf32, #tpu.memory_space<vmem_shared>>
      %dma_start3A_179 = arith.constant 0 : i32
      %dma_start3A_180 = tpu.memref_slice %arg26[%add3A_6, %dma_start3A_179] : memref<10000x16xf32, #tpu.memory_space<vmem_shared>> -> memref<156x16xf32, #tpu.memory_space<vmem_shared>>
      tpu.enqueue_dma source(%arg24 : memref<156x16xf32, #tpu.memory_space<vmem>>) target(%dma_start3A_180 : memref<156x16xf32, #tpu.memory_space<vmem_shared>>) target_semaphore(%run_scoped3A : memref<!tpu.dma_semaphore, #tpu.memory_space<semaphore_mem>>)
      %dma_wait3A_181 = arith.constant 0 : i32
      %dma_wait3A_182 = tpu.memref_slice %arg26[%add3A_6, %dma_wait3A_181] : memref<10000x16xf32, #tpu.memory_space<vmem_shared>> -> memref<156x16xf32, #tpu.memory_space<vmem_shared>>
      %dma_wait3A_183 = arith.constant 0 : i32
      %dma_wait3A_184 = tpu.memref_slice %arg26[%add3A_6, %dma_wait3A_183] : memref<10000x16xf32, #tpu.memory_space<vmem_shared>> -> memref<156x16xf32, #tpu.memory_space<vmem_shared>>
      tpu.wait_dma2 semaphore(%run_scoped3A : memref<!tpu.dma_semaphore, #tpu.memory_space<semaphore_mem>>) src(%arg24 : memref<156x16xf32, #tpu.memory_space<vmem>>) dst(%dma_wait3A_184 : memref<156x16xf32, #tpu.memory_space<vmem_shared>>)
      tpu.yield
    }) : () -> ()
    %add3A_7 = arith.constant 156 : i32
    %add3A_8 = arith.addi %mul3A_3, %add3A_7 : i32
    "tpu.region"() ({
      %run_scoped3A = tpu.sem_alloc : memref<!tpu.dma_semaphore, #tpu.memory_space<semaphore_mem>>
      %dma_start3A_177 = arith.constant 0 : i32
      %dma_start3A_178 = tpu.memref_slice %arg25[%add3A_8, %dma_start3A_177] : memref<10000x64xf32, #tpu.memory_space<vmem_shared>> -> memref<156x64xf32, #tpu.memory_space<vmem_shared>>
      %dma_start3A_179 = arith.constant 0 : i32
      %dma_start3A_180 = tpu.memref_slice %arg25[%add3A_8, %dma_start3A_179] : memref<10000x64xf32, #tpu.memory_space<vmem_shared>> -> memref<156x64xf32, #tpu.memory_space<vmem_shared>>
      tpu.enqueue_dma source(%arg23 : memref<156x64xf32, #tpu.memory_space<vmem>>) target(%dma_start3A_180 : memref<156x64xf32, #tpu.memory_space<vmem_shared>>) target_semaphore(%run_scoped3A : memref<!tpu.dma_semaphore, #tpu.memory_space<semaphore_mem>>)
      %dma_wait3A_181 = arith.constant 0 : i32
      %dma_wait3A_182 = tpu.memref_slice %arg25[%add3A_8, %dma_wait3A_181] : memref<10000x64xf32, #tpu.memory_space<vmem_shared>> -> memref<156x64xf32, #tpu.memory_space<vmem_shared>>
      %dma_wait3A_183 = arith.constant 0 : i32
      %dma_wait3A_184 = tpu.memref_slice %arg25[%add3A_8, %dma_wait3A_183] : memref<10000x64xf32, #tpu.memory_space<vmem_shared>> -> memref<156x64xf32, #tpu.memory_space<vmem_shared>>
      tpu.wait_dma2 semaphore(%run_scoped3A : memref<!tpu.dma_semaphore, #tpu.memory_space<semaphore_mem>>) src(%arg23 : memref<156x64xf32, #tpu.memory_space<vmem>>) dst(%dma_wait3A_184 : memref<156x64xf32, #tpu.memory_space<vmem_shared>>)
      tpu.yield
    }) : () -> ()
    %add3A_9 = arith.constant 156 : i32
    %add3A_10 = arith.addi %mul3A_3, %add3A_9 : i32
    "tpu.region"() ({
      %run_scoped3A = tpu.sem_alloc : memref<!tpu.dma_semaphore, #tpu.memory_space<semaphore_mem>>
      %dma_start3A_177 = arith.constant 0 : i32
      %dma_start3A_178 = tpu.memref_slice %arg26[%add3A_10, %dma_start3A_177] : memref<10000x16xf32, #tpu.memory_space<vmem_shared>> -> memref<156x16xf32, #tpu.memory_space<vmem_shared>>
      %dma_start3A_179 = arith.constant 0 : i32
      %dma_start3A_180 = tpu.memref_slice %arg26[%add3A_10, %dma_start3A_179] : memref<10000x16xf32, #tpu.memory_space<vmem_shared>> -> memref<156x16xf32, #tpu.memory_space<vmem_shared>>
      tpu.enqueue_dma source(%arg24 : memref<156x16xf32, #tpu.memory_space<vmem>>) target(%dma_start3A_180 : memref<156x16xf32, #tpu.memory_space<vmem_shared>>) target_semaphore(%run_scoped3A : memref<!tpu.dma_semaphore, #tpu.memory_space<semaphore_mem>>)
      %dma_wait3A_181 = arith.constant 0 : i32
      %dma_wait3A_182 = tpu.memref_slice %arg26[%add3A_10, %dma_wait3A_181] : memref<10000x16xf32, #tpu.memory_space<vmem_shared>> -> memref<156x16xf32, #tpu.memory_space<vmem_shared>>
      %dma_wait3A_183 = arith.constant 0 : i32
      %dma_wait3A_184 = tpu.memref_slice %arg26[%add3A_10, %dma_wait3A_183] : memref<10000x16xf32, #tpu.memory_space<vmem_shared>> -> memref<156x16xf32, #tpu.memory_space<vmem_shared>>
      tpu.wait_dma2 semaphore(%run_scoped3A : memref<!tpu.dma_semaphore, #tpu.memory_space<semaphore_mem>>) src(%arg24 : memref<156x16xf32, #tpu.memory_space<vmem>>) dst(%dma_wait3A_184 : memref<156x16xf32, #tpu.memory_space<vmem_shared>>)
      tpu.yield
    }) : () -> ()
    %add3A_11 = arith.constant 312 : i32
    %add3A_12 = arith.addi %mul3A_3, %add3A_11 : i32
    "tpu.region"() ({
      %run_scoped3A = tpu.sem_alloc : memref<!tpu.dma_semaphore, #tpu.memory_space<semaphore_mem>>
      %dma_start3A_177 = arith.constant 0 : i32
      %dma_start3A_178 = tpu.memref_slice %arg25[%add3A_12, %dma_start3A_177] : memref<10000x64xf32, #tpu.memory_space<vmem_shared>> -> memref<156x64xf32, #tpu.memory_space<vmem_shared>>
      %dma_start3A_179 = arith.constant 0 : i32
      %dma_start3A_180 = tpu.memref_slice %arg25[%add3A_12, %dma_start3A_179] : memref<10000x64xf32, #tpu.memory_space<vmem_shared>> -> memref<156x64xf32, #tpu.memory_space<vmem_shared>>
      tpu.enqueue_dma source(%arg23 : memref<156x64xf32, #tpu.memory_space<vmem>>) target(%dma_start3A_180 : memref<156x64xf32, #tpu.memory_space<vmem_shared>>) target_semaphore(%run_scoped3A : memref<!tpu.dma_semaphore, #tpu.memory_space<semaphore_mem>>)
      %dma_wait3A_181 = arith.constant 0 : i32
      %dma_wait3A_182 = tpu.memref_slice %arg25[%add3A_12, %dma_wait3A_181] : memref<10000x64xf32, #tpu.memory_space<vmem_shared>> -> memref<156x64xf32, #tpu.memory_space<vmem_shared>>
      %dma_wait3A_183 = arith.constant 0 : i32
      %dma_wait3A_184 = tpu.memref_slice %arg25[%add3A_12, %dma_wait3A_183] : memref<10000x64xf32, #tpu.memory_space<vmem_shared>> -> memref<156x64xf32, #tpu.memory_space<vmem_shared>>
      tpu.wait_dma2 semaphore(%run_scoped3A : memref<!tpu.dma_semaphore, #tpu.memory_space<semaphore_mem>>) src(%arg23 : memref<156x64xf32, #tpu.memory_space<vmem>>) dst(%dma_wait3A_184 : memref<156x64xf32, #tpu.memory_space<vmem_shared>>)
      tpu.yield
    }) : () -> ()
    %add3A_13 = arith.constant 312 : i32
    %add3A_14 = arith.addi %mul3A_3, %add3A_13 : i32
    "tpu.region"() ({
      %run_scoped3A = tpu.sem_alloc : memref<!tpu.dma_semaphore, #tpu.memory_space<semaphore_mem>>
      %dma_start3A_177 = arith.constant 0 : i32
      %dma_start3A_178 = tpu.memref_slice %arg26[%add3A_14, %dma_start3A_177] : memref<10000x16xf32, #tpu.memory_space<vmem_shared>> -> memref<156x16xf32, #tpu.memory_space<vmem_shared>>
      %dma_start3A_179 = arith.constant 0 : i32
      %dma_start3A_180 = tpu.memref_slice %arg26[%add3A_14, %dma_start3A_179] : memref<10000x16xf32, #tpu.memory_space<vmem_shared>> -> memref<156x16xf32, #tpu.memory_space<vmem_shared>>
      tpu.enqueue_dma source(%arg24 : memref<156x16xf32, #tpu.memory_space<vmem>>) target(%dma_start3A_180 : memref<156x16xf32, #tpu.memory_space<vmem_shared>>) target_semaphore(%run_scoped3A : memref<!tpu.dma_semaphore, #tpu.memory_space<semaphore_mem>>)
      %dma_wait3A_181 = arith.constant 0 : i32
      %dma_wait3A_182 = tpu.memref_slice %arg26[%add3A_14, %dma_wait3A_181] : memref<10000x16xf32, #tpu.memory_space<vmem_shared>> -> memref<156x16xf32, #tpu.memory_space<vmem_shared>>
      %dma_wait3A_183 = arith.constant 0 : i32
      %dma_wait3A_184 = tpu.memref_slice %arg26[%add3A_14, %dma_wait3A_183] : memref<10000x16xf32, #tpu.memory_space<vmem_shared>> -> memref<156x16xf32, #tpu.memory_space<vmem_shared>>
      tpu.wait_dma2 semaphore(%run_scoped3A : memref<!tpu.dma_semaphore, #tpu.memory_space<semaphore_mem>>) src(%arg24 : memref<156x16xf32, #tpu.memory_space<vmem>>) dst(%dma_wait3A_184 : memref<156x16xf32, #tpu.memory_space<vmem_shared>>)
      tpu.yield
    }) : () -> ()
    %add3A_15 = arith.constant 468 : i32
    %add3A_16 = arith.addi %mul3A_3, %add3A_15 : i32
    "tpu.region"() ({
      %run_scoped3A = tpu.sem_alloc : memref<!tpu.dma_semaphore, #tpu.memory_space<semaphore_mem>>
      %dma_start3A_177 = arith.constant 0 : i32
      %dma_start3A_178 = tpu.memref_slice %arg25[%add3A_16, %dma_start3A_177] : memref<10000x64xf32, #tpu.memory_space<vmem_shared>> -> memref<156x64xf32, #tpu.memory_space<vmem_shared>>
      %dma_start3A_179 = arith.constant 0 : i32
      %dma_start3A_180 = tpu.memref_slice %arg25[%add3A_16, %dma_start3A_179] : memref<10000x64xf32, #tpu.memory_space<vmem_shared>> -> memref<156x64xf32, #tpu.memory_space<vmem_shared>>
      tpu.enqueue_dma source(%arg23 : memref<156x64xf32, #tpu.memory_space<vmem>>) target(%dma_start3A_180 : memref<156x64xf32, #tpu.memory_space<vmem_shared>>) target_semaphore(%run_scoped3A : memref<!tpu.dma_semaphore, #tpu.memory_space<semaphore_mem>>)
      %dma_wait3A_181 = arith.constant 0 : i32
      %dma_wait3A_182 = tpu.memref_slice %arg25[%add3A_16, %dma_wait3A_181] : memref<10000x64xf32, #tpu.memory_space<vmem_shared>> -> memref<156x64xf32, #tpu.memory_space<vmem_shared>>
      %dma_wait3A_183 = arith.constant 0 : i32
      %dma_wait3A_184 = tpu.memref_slice %arg25[%add3A_16, %dma_wait3A_183] : memref<10000x64xf32, #tpu.memory_space<vmem_shared>> -> memref<156x64xf32, #tpu.memory_space<vmem_shared>>
      tpu.wait_dma2 semaphore(%run_scoped3A : memref<!tpu.dma_semaphore, #tpu.memory_space<semaphore_mem>>) src(%arg23 : memref<156x64xf32, #tpu.memory_space<vmem>>) dst(%dma_wait3A_184 : memref<156x64xf32, #tpu.memory_space<vmem_shared>>)
      tpu.yield
    }) : () -> ()
    %add3A_17 = arith.constant 468 : i32
    %add3A_18 = arith.addi %mul3A_3, %add3A_17 : i32
    "tpu.region"() ({
      %run_scoped3A = tpu.sem_alloc : memref<!tpu.dma_semaphore, #tpu.memory_space<semaphore_mem>>
      %dma_start3A_177 = arith.constant 0 : i32
      %dma_start3A_178 = tpu.memref_slice %arg26[%add3A_18, %dma_start3A_177] : memref<10000x16xf32, #tpu.memory_space<vmem_shared>> -> memref<156x16xf32, #tpu.memory_space<vmem_shared>>
      %dma_start3A_179 = arith.constant 0 : i32
      %dma_start3A_180 = tpu.memref_slice %arg26[%add3A_18, %dma_start3A_179] : memref<10000x16xf32, #tpu.memory_space<vmem_shared>> -> memref<156x16xf32, #tpu.memory_space<vmem_shared>>
      tpu.enqueue_dma source(%arg24 : memref<156x16xf32, #tpu.memory_space<vmem>>) target(%dma_start3A_180 : memref<156x16xf32, #tpu.memory_space<vmem_shared>>) target_semaphore(%run_scoped3A : memref<!tpu.dma_semaphore, #tpu.memory_space<semaphore_mem>>)
      %dma_wait3A_181 = arith.constant 0 : i32
      %dma_wait3A_182 = tpu.memref_slice %arg26[%add3A_18, %dma_wait3A_181] : memref<10000x16xf32, #tpu.memory_space<vmem_shared>> -> memref<156x16xf32, #tpu.memory_space<vmem_shared>>
      %dma_wait3A_183 = arith.constant 0 : i32
      %dma_wait3A_184 = tpu.memref_slice %arg26[%add3A_18, %dma_wait3A_183] : memref<10000x16xf32, #tpu.memory_space<vmem_shared>> -> memref<156x16xf32, #tpu.memory_space<vmem_shared>>
      tpu.wait_dma2 semaphore(%run_scoped3A : memref<!tpu.dma_semaphore, #tpu.memory_space<semaphore_mem>>) src(%arg24 : memref<156x16xf32, #tpu.memory_space<vmem>>) dst(%dma_wait3A_184 : memref<156x16xf32, #tpu.memory_space<vmem_shared>>)
      tpu.yield
    }) : () -> ()
    %eq3A = arith.constant 0 : i32
    %eq3A_19 = arith.cmpi eq, %arg1, %eq3A : i32
    %convert_element_type3A = arith.extui %eq3A_19 : i1 to i32
    %cond3A = arith.constant 0 : i32
    %cond3A_20 = arith.cmpi ne, %convert_element_type3A, %cond3A : i32
    scf.if %cond3A_20 {
      "tpu.region"() ({
        %run_scoped3A = tpu.sem_alloc : memref<!tpu.dma_semaphore, #tpu.memory_space<semaphore_mem>>
        %dma_start3A_177 = arith.constant 0 : i32
        %dma_start3A_178 = arith.constant 0 : i32
        %dma_start3A_179 = tpu.memref_slice %arg23[%dma_start3A_177, %dma_start3A_178] : memref<156x64xf32, #tpu.memory_space<vmem>> -> memref<16x64xf32, #tpu.memory_space<vmem>>
        %dma_start3A_180 = arith.constant 9984 : i32
        %dma_start3A_181 = arith.constant 0 : i32
        %dma_start3A_182 = tpu.memref_slice %arg25[%dma_start3A_180, %dma_start3A_181] : memref<10000x64xf32, #tpu.memory_space<vmem_shared>> -> memref<16x64xf32, #tpu.memory_space<vmem_shared>>
        %dma_start3A_183 = arith.constant 9984 : i32
        %dma_start3A_184 = arith.constant 0 : i32
        %dma_start3A_185 = tpu.memref_slice %arg25[%dma_start3A_183, %dma_start3A_184] : memref<10000x64xf32, #tpu.memory_space<vmem_shared>> -> memref<16x64xf32, #tpu.memory_space<vmem_shared>>
        %dma_start3A_186 = arith.constant 0 : i32
        %dma_start3A_187 = arith.constant 0 : i32
        %dma_start3A_188 = tpu.memref_slice %arg23[%dma_start3A_186, %dma_start3A_187] : memref<156x64xf32, #tpu.memory_space<vmem>> -> memref<16x64xf32, #tpu.memory_space<vmem>>
        tpu.enqueue_dma source(%dma_start3A_188 : memref<16x64xf32, #tpu.memory_space<vmem>>) target(%dma_start3A_185 : memref<16x64xf32, #tpu.memory_space<vmem_shared>>) target_semaphore(%run_scoped3A : memref<!tpu.dma_semaphore, #tpu.memory_space<semaphore_mem>>)
        %dma_wait3A_189 = arith.constant 0 : i32
        %dma_wait3A_190 = arith.constant 0 : i32
        %dma_wait3A_191 = tpu.memref_slice %arg23[%dma_wait3A_189, %dma_wait3A_190] : memref<156x64xf32, #tpu.memory_space<vmem>> -> memref<16x64xf32, #tpu.memory_space<vmem>>
        %dma_wait3A_192 = arith.constant 9984 : i32
        %dma_wait3A_193 = arith.constant 0 : i32
        %dma_wait3A_194 = tpu.memref_slice %arg25[%dma_wait3A_192, %dma_wait3A_193] : memref<10000x64xf32, #tpu.memory_space<vmem_shared>> -> memref<16x64xf32, #tpu.memory_space<vmem_shared>>
        %dma_wait3A_195 = arith.constant 9984 : i32
        %dma_wait3A_196 = arith.constant 0 : i32
        %dma_wait3A_197 = tpu.memref_slice %arg25[%dma_wait3A_195, %dma_wait3A_196] : memref<10000x64xf32, #tpu.memory_space<vmem_shared>> -> memref<16x64xf32, #tpu.memory_space<vmem_shared>>
        %dma_wait3A_198 = arith.constant 0 : i32
        %dma_wait3A_199 = arith.constant 0 : i32
        %dma_wait3A_200 = tpu.memref_slice %arg23[%dma_wait3A_198, %dma_wait3A_199] : memref<156x64xf32, #tpu.memory_space<vmem>> -> memref<16x64xf32, #tpu.memory_space<vmem>>
        tpu.wait_dma2 semaphore(%run_scoped3A : memref<!tpu.dma_semaphore, #tpu.memory_space<semaphore_mem>>) src(%dma_wait3A_200 : memref<16x64xf32, #tpu.memory_space<vmem>>) dst(%dma_wait3A_197 : memref<16x64xf32, #tpu.memory_space<vmem_shared>>)
        tpu.yield
      }) : () -> ()
      "tpu.region"() ({
        %run_scoped3A = tpu.sem_alloc : memref<!tpu.dma_semaphore, #tpu.memory_space<semaphore_mem>>
        %dma_start3A_177 = arith.constant 0 : i32
        %dma_start3A_178 = arith.constant 0 : i32
        %dma_start3A_179 = tpu.memref_slice %arg24[%dma_start3A_177, %dma_start3A_178] : memref<156x16xf32, #tpu.memory_space<vmem>> -> memref<16x16xf32, #tpu.memory_space<vmem>>
        %dma_start3A_180 = arith.constant 9984 : i32
        %dma_start3A_181 = arith.constant 0 : i32
        %dma_start3A_182 = tpu.memref_slice %arg26[%dma_start3A_180, %dma_start3A_181] : memref<10000x16xf32, #tpu.memory_space<vmem_shared>> -> memref<16x16xf32, #tpu.memory_space<vmem_shared>>
        %dma_start3A_183 = arith.constant 9984 : i32
        %dma_start3A_184 = arith.constant 0 : i32
        %dma_start3A_185 = tpu.memref_slice %arg26[%dma_start3A_183, %dma_start3A_184] : memref<10000x16xf32, #tpu.memory_space<vmem_shared>> -> memref<16x16xf32, #tpu.memory_space<vmem_shared>>
        %dma_start3A_186 = arith.constant 0 : i32
        %dma_start3A_187 = arith.constant 0 : i32
        %dma_start3A_188 = tpu.memref_slice %arg24[%dma_start3A_186, %dma_start3A_187] : memref<156x16xf32, #tpu.memory_space<vmem>> -> memref<16x16xf32, #tpu.memory_space<vmem>>
        tpu.enqueue_dma source(%dma_start3A_188 : memref<16x16xf32, #tpu.memory_space<vmem>>) target(%dma_start3A_185 : memref<16x16xf32, #tpu.memory_space<vmem_shared>>) target_semaphore(%run_scoped3A : memref<!tpu.dma_semaphore, #tpu.memory_space<semaphore_mem>>)
        %dma_wait3A_189 = arith.constant 0 : i32
        %dma_wait3A_190 = arith.constant 0 : i32
        %dma_wait3A_191 = tpu.memref_slice %arg24[%dma_wait3A_189, %dma_wait3A_190] : memref<156x16xf32, #tpu.memory_space<vmem>> -> memref<16x16xf32, #tpu.memory_space<vmem>>
        %dma_wait3A_192 = arith.constant 9984 : i32
        %dma_wait3A_193 = arith.constant 0 : i32
        %dma_wait3A_194 = tpu.memref_slice %arg26[%dma_wait3A_192, %dma_wait3A_193] : memref<10000x16xf32, #tpu.memory_space<vmem_shared>> -> memref<16x16xf32, #tpu.memory_space<vmem_shared>>
        %dma_wait3A_195 = arith.constant 9984 : i32
        %dma_wait3A_196 = arith.constant 0 : i32
        %dma_wait3A_197 = tpu.memref_slice %arg26[%dma_wait3A_195, %dma_wait3A_196] : memref<10000x16xf32, #tpu.memory_space<vmem_shared>> -> memref<16x16xf32, #tpu.memory_space<vmem_shared>>
        %dma_wait3A_198 = arith.constant 0 : i32
        %dma_wait3A_199 = arith.constant 0 : i32
        %dma_wait3A_200 = tpu.memref_slice %arg24[%dma_wait3A_198, %dma_wait3A_199] : memref<156x16xf32, #tpu.memory_space<vmem>> -> memref<16x16xf32, #tpu.memory_space<vmem>>
        tpu.wait_dma2 semaphore(%run_scoped3A : memref<!tpu.dma_semaphore, #tpu.memory_space<semaphore_mem>>) src(%dma_wait3A_200 : memref<16x16xf32, #tpu.memory_space<vmem>>) dst(%dma_wait3A_197 : memref<16x16xf32, #tpu.memory_space<vmem_shared>>)
        tpu.yield
      }) : () -> ()
    } else {
    }
    %barrier3A = arith.constant 0 : index
    tpu.barrier barrier_id(%barrier3A)
    %lt3A = arith.constant 4 : i32
    %lt3A_21 = arith.cmpi slt, %arg1, %lt3A : i32
    %jit3A = arith.constant 1 : i32
    %jit3A_22 = arith.constant 0 : i32
    %select_n3A = arith.select %lt3A_21, %jit3A, %jit3A_22 : i32
    %add3A_23 = arith.constant 156 : i32
    %add3A_24 = arith.addi %add3A_23, %select_n3A : i32
    %mul3A_25 = arith.constant 10000 : i32
    %mul3A_26 = arith.muli %arg0, %mul3A_25 : i32
    %mul3A_27 = arith.constant 4 : i32
    %mul3A_28 = arith.muli %arg0, %mul3A_27 : i32
    %add3A_29 = arith.constant 0 : i32
    %add3A_30 = arith.addi %mul3A_28, %add3A_29 : i32
    %broadcast_in_dim3A_31 = vector.broadcast %add3A_30 : i32 to vector<16xi32>
    %mul3A_32 = arith.constant 4 : i32
    %mul3A_33 = arith.muli %arg0, %mul3A_32 : i32
    %add3A_34 = arith.constant 1 : i32
    %add3A_35 = arith.addi %mul3A_33, %add3A_34 : i32
    %broadcast_in_dim3A_36 = vector.broadcast %add3A_35 : i32 to vector<16xi32>
    %mul3A_37 = arith.constant 4 : i32
    %mul3A_38 = arith.muli %arg0, %mul3A_37 : i32
    %add3A_39 = arith.constant 2 : i32
    %add3A_40 = arith.addi %mul3A_38, %add3A_39 : i32
    %broadcast_in_dim3A_41 = vector.broadcast %add3A_40 : i32 to vector<16xi32>
    %mul3A_42 = arith.constant 4 : i32
    %mul3A_43 = arith.muli %arg0, %mul3A_42 : i32
    %add3A_44 = arith.constant 3 : i32
    %add3A_45 = arith.addi %mul3A_43, %add3A_44 : i32
    %broadcast_in_dim3A_46 = vector.broadcast %add3A_45 : i32 to vector<16xi32>
    %sub3A = arith.constant 1 : i32
    %sub3A_47 = arith.subi %add3A_24, %sub3A : i32
    %min3A = arith.constant 0 : i32
    %min3A_48 = arith.minsi %min3A, %sub3A_47 : i32
    %mul3A_49 = arith.constant 16 : i32
    %mul3A_50 = arith.muli %min3A_48, %mul3A_49 : i32
    %add3A_51 = arith.addi %arg1, %mul3A_50 : i32
    %mul3A_52 = arith.constant 128 : i32
    %mul3A_53 = arith.muli %add3A_51, %mul3A_52 : i32
    %dma_start3A = tpu.memref_slice %arg5[%mul3A_53] : memref<320000xi32, #tpu.memory_space<hbm>> -> memref<128xi32, #tpu.memory_space<hbm>>
    %dma_start3A_54 = tpu.memref_slice %arg5[%mul3A_53] : memref<320000xi32, #tpu.memory_space<hbm>> -> memref<128xi32, #tpu.memory_space<hbm>>
    tpu.enqueue_dma source(%dma_start3A_54 : memref<128xi32, #tpu.memory_space<hbm>>) target(%arg9 : memref<128xi32, #tpu.memory_space<vmem>>) target_semaphore(%arg27 : memref<!tpu.dma_semaphore, #tpu.memory_space<semaphore_mem>>)
    %dma_start3A_55 = tpu.memref_slice %arg6[%mul3A_53] : memref<320000xi32, #tpu.memory_space<hbm>> -> memref<128xi32, #tpu.memory_space<hbm>>
    %dma_start3A_56 = tpu.memref_slice %arg6[%mul3A_53] : memref<320000xi32, #tpu.memory_space<hbm>> -> memref<128xi32, #tpu.memory_space<hbm>>
    tpu.enqueue_dma source(%dma_start3A_56 : memref<128xi32, #tpu.memory_space<hbm>>) target(%arg10 : memref<128xi32, #tpu.memory_space<vmem>>) target_semaphore(%arg28 : memref<!tpu.dma_semaphore, #tpu.memory_space<semaphore_mem>>)
    %sub3A_57 = arith.constant 1 : i32
    %sub3A_58 = arith.subi %add3A_24, %sub3A_57 : i32
    %min3A_59 = arith.constant 1 : i32
    %min3A_60 = arith.minsi %min3A_59, %sub3A_58 : i32
    %mul3A_61 = arith.constant 16 : i32
    %mul3A_62 = arith.muli %min3A_60, %mul3A_61 : i32
    %add3A_63 = arith.addi %arg1, %mul3A_62 : i32
    %mul3A_64 = arith.constant 128 : i32
    %mul3A_65 = arith.muli %add3A_63, %mul3A_64 : i32
    %dma_start3A_66 = tpu.memref_slice %arg5[%mul3A_65] : memref<320000xi32, #tpu.memory_space<hbm>> -> memref<128xi32, #tpu.memory_space<hbm>>
    %dma_start3A_67 = tpu.memref_slice %arg5[%mul3A_65] : memref<320000xi32, #tpu.memory_space<hbm>> -> memref<128xi32, #tpu.memory_space<hbm>>
    tpu.enqueue_dma source(%dma_start3A_67 : memref<128xi32, #tpu.memory_space<hbm>>) target(%arg16 : memref<128xi32, #tpu.memory_space<vmem>>) target_semaphore(%arg32 : memref<!tpu.dma_semaphore, #tpu.memory_space<semaphore_mem>>)
    %dma_start3A_68 = tpu.memref_slice %arg6[%mul3A_65] : memref<320000xi32, #tpu.memory_space<hbm>> -> memref<128xi32, #tpu.memory_space<hbm>>
    %dma_start3A_69 = tpu.memref_slice %arg6[%mul3A_65] : memref<320000xi32, #tpu.memory_space<hbm>> -> memref<128xi32, #tpu.memory_space<hbm>>
    tpu.enqueue_dma source(%dma_start3A_69 : memref<128xi32, #tpu.memory_space<hbm>>) target(%arg17 : memref<128xi32, #tpu.memory_space<vmem>>) target_semaphore(%arg33 : memref<!tpu.dma_semaphore, #tpu.memory_space<semaphore_mem>>)
    %sub3A_70 = arith.constant 1 : i32
    %sub3A_71 = arith.subi %add3A_24, %sub3A_70 : i32
    %min3A_72 = arith.constant 0 : i32
    %min3A_73 = arith.minsi %min3A_72, %sub3A_71 : i32
    %mul3A_74 = arith.constant 16 : i32
    %mul3A_75 = arith.muli %min3A_73, %mul3A_74 : i32
    %add3A_76 = arith.addi %arg1, %mul3A_75 : i32
    %mul3A_77 = arith.constant 128 : i32
    %mul3A_78 = arith.muli %add3A_76, %mul3A_77 : i32
    %dma_wait3A = tpu.memref_slice %arg5[%mul3A_78] : memref<320000xi32, #tpu.memory_space<hbm>> -> memref<128xi32, #tpu.memory_space<hbm>>
    %dma_wait3A_79 = tpu.memref_slice %arg5[%mul3A_78] : memref<320000xi32, #tpu.memory_space<hbm>> -> memref<128xi32, #tpu.memory_space<hbm>>
    tpu.wait_dma2 semaphore(%arg27 : memref<!tpu.dma_semaphore, #tpu.memory_space<semaphore_mem>>) src(%dma_wait3A_79 : memref<128xi32, #tpu.memory_space<hbm>>) dst(%arg9 : memref<128xi32, #tpu.memory_space<vmem>>)
    %dma_wait3A_80 = tpu.memref_slice %arg6[%mul3A_78] : memref<320000xi32, #tpu.memory_space<hbm>> -> memref<128xi32, #tpu.memory_space<hbm>>
    %dma_wait3A_81 = tpu.memref_slice %arg6[%mul3A_78] : memref<320000xi32, #tpu.memory_space<hbm>> -> memref<128xi32, #tpu.memory_space<hbm>>
    tpu.wait_dma2 semaphore(%arg28 : memref<!tpu.dma_semaphore, #tpu.memory_space<semaphore_mem>>) src(%dma_wait3A_81 : memref<128xi32, #tpu.memory_space<hbm>>) dst(%arg10 : memref<128xi32, #tpu.memory_space<vmem>>)
    %get3A = arith.constant 0 : index
    %get3A_82 = tpu.vector_load %arg9[%get3A] {strides = array<i32>} : memref<128xi32, #tpu.memory_space<vmem>>, vector<16xi32>,
    %get3A_83 = vector.shape_cast %get3A_82 : vector<16xi32> to vector<16xi32>
    %add3A_84 = vector.broadcast %mul3A_26 : i32 to vector<16xi32>
    %add3A_85 = arith.addi %get3A_83, %add3A_84 : vector<16xi32>
    %swap3A = arith.constant 0 : index
    %swap3A_86 = tpu.vector_load %arg11[%swap3A] {strides = array<i32>} : memref<128xi32, #tpu.memory_space<vmem>>, vector<16xi32>,
    %swap3A_87 = vector.shape_cast %swap3A_86 : vector<16xi32> to vector<16xi32>
    %swap3A_88 = vector.shape_cast %add3A_85 : vector<16xi32> to vector<16xi32>
    tpu.vector_store %arg11[%swap3A], %swap3A_88 {strides = array<i32>} : memref<128xi32, #tpu.memory_space<vmem>>, vector<16xi32>,
    %get3A_89 = arith.constant 16 : index
    %get3A_90 = tpu.vector_load %arg9[%get3A_89] {strides = array<i32>} : memref<128xi32, #tpu.memory_space<vmem>>, vector<16xi32>,
    %get3A_91 = vector.shape_cast %get3A_90 : vector<16xi32> to vector<16xi32>
    %add3A_92 = vector.broadcast %mul3A_26 : i32 to vector<16xi32>
    %add3A_93 = arith.addi %get3A_91, %add3A_92 : vector<16xi32>
    %swap3A_94 = arith.constant 16 : index
    %swap3A_95 = tpu.vector_load %arg11[%swap3A_94] {strides = array<i32>} : memref<128xi32, #tpu.memory_space<vmem>>, vector<16xi32>,
    %swap3A_96 = vector.shape_cast %swap3A_95 : vector<16xi32> to vector<16xi32>
    %swap3A_97 = vector.shape_cast %add3A_93 : vector<16xi32> to vector<16xi32>
    tpu.vector_store %arg11[%swap3A_94], %swap3A_97 {strides = array<i32>} : memref<128xi32, #tpu.memory_space<vmem>>, vector<16xi32>,
    %get3A_98 = arith.constant 32 : index
    %get3A_99 = tpu.vector_load %arg9[%get3A_98] {strides = array<i32>} : memref<128xi32, #tpu.memory_space<vmem>>, vector<16xi32>,
    %get3A_100 = vector.shape_cast %get3A_99 : vector<16xi32> to vector<16xi32>
    %add3A_101 = vector.broadcast %mul3A_26 : i32 to vector<16xi32>
    %add3A_102 = arith.addi %get3A_100, %add3A_101 : vector<16xi32>
    %swap3A_103 = arith.constant 32 : index
    %swap3A_104 = tpu.vector_load %arg11[%swap3A_103] {strides = array<i32>} : memref<128xi32, #tpu.memory_space<vmem>>, vector<16xi32>,
    %swap3A_105 = vector.shape_cast %swap3A_104 : vector<16xi32> to vector<16xi32>
    %swap3A_106 = vector.shape_cast %add3A_102 : vector<16xi32> to vector<16xi32>
    tpu.vector_store %arg11[%swap3A_103], %swap3A_106 {strides = array<i32>} : memref<128xi32, #tpu.memory_space<vmem>>, vector<16xi32>,
    %get3A_107 = arith.constant 48 : index
    %get3A_108 = tpu.vector_load %arg9[%get3A_107] {strides = array<i32>} : memref<128xi32, #tpu.memory_space<vmem>>, vector<16xi32>,
    %get3A_109 = vector.shape_cast %get3A_108 : vector<16xi32> to vector<16xi32>
    %add3A_110 = vector.broadcast %mul3A_26 : i32 to vector<16xi32>
    %add3A_111 = arith.addi %get3A_109, %add3A_110 : vector<16xi32>
    %swap3A_112 = arith.constant 48 : index
    %swap3A_113 = tpu.vector_load %arg11[%swap3A_112] {strides = array<i32>} : memref<128xi32, #tpu.memory_space<vmem>>, vector<16xi32>,
    %swap3A_114 = vector.shape_cast %swap3A_113 : vector<16xi32> to vector<16xi32>
    %swap3A_115 = vector.shape_cast %add3A_111 : vector<16xi32> to vector<16xi32>
    tpu.vector_store %arg11[%swap3A_112], %swap3A_115 {strides = array<i32>} : memref<128xi32, #tpu.memory_space<vmem>>, vector<16xi32>,
    %get3A_116 = arith.constant 64 : index
    %get3A_117 = tpu.vector_load %arg9[%get3A_116] {strides = array<i32>} : memref<128xi32, #tpu.memory_space<vmem>>, vector<16xi32>,
    %get3A_118 = vector.shape_cast %get3A_117 : vector<16xi32> to vector<16xi32>
    %add3A_119 = vector.broadcast %mul3A_26 : i32 to vector<16xi32>
    %add3A_120 = arith.addi %get3A_118, %add3A_119 : vector<16xi32>
    %swap3A_121 = arith.constant 64 : index
    %swap3A_122 = tpu.vector_load %arg11[%swap3A_121] {strides = array<i32>} : memref<128xi32, #tpu.memory_space<vmem>>, vector<16xi32>,
    %swap3A_123 = vector.shape_cast %swap3A_122 : vector<16xi32> to vector<16xi32>
    %swap3A_124 = vector.shape_cast %add3A_120 : vector<16xi32> to vector<16xi32>
    tpu.vector_store %arg11[%swap3A_121], %swap3A_124 {strides = array<i32>} : memref<128xi32, #tpu.memory_space<vmem>>, vector<16xi32>,
    %get3A_125 = arith.constant 80 : index
    %get3A_126 = tpu.vector_load %arg9[%get3A_125] {strides = array<i32>} : memref<128xi32, #tpu.memory_space<vmem>>, vector<16xi32>,
    %get3A_127 = vector.shape_cast %get3A_126 : vector<16xi32> to vector<16xi32>
    %add3A_128 = vector.broadcast %mul3A_26 : i32 to vector<16xi32>
    %add3A_129 = arith.addi %get3A_127, %add3A_128 : vector<16xi32>
    %swap3A_130 = arith.constant 80 : index
    %swap3A_131 = tpu.vector_load %arg11[%swap3A_130] {strides = array<i32>} : memref<128xi32, #tpu.memory_space<vmem>>, vector<16xi32>,
    %swap3A_132 = vector.shape_cast %swap3A_131 : vector<16xi32> to vector<16xi32>
    %swap3A_133 = vector.shape_cast %add3A_129 : vector<16xi32> to vector<16xi32>
    tpu.vector_store %arg11[%swap3A_130], %swap3A_133 {strides = array<i32>} : memref<128xi32, #tpu.memory_space<vmem>>, vector<16xi32>,
    %get3A_134 = arith.constant 96 : index
    %get3A_135 = tpu.vector_load %arg9[%get3A_134] {strides = array<i32>} : memref<128xi32, #tpu.memory_space<vmem>>, vector<16xi32>,
    %get3A_136 = vector.shape_cast %get3A_135 : vector<16xi32> to vector<16xi32>
    %add3A_137 = vector.broadcast %mul3A_26 : i32 to vector<16xi32>
    %add3A_138 = arith.addi %get3A_136, %add3A_137 : vector<16xi32>
    %swap3A_139 = arith.constant 96 : index
    %swap3A_140 = tpu.vector_load %arg11[%swap3A_139] {strides = array<i32>} : memref<128xi32, #tpu.memory_space<vmem>>, vector<16xi32>,
    %swap3A_141 = vector.shape_cast %swap3A_140 : vector<16xi32> to vector<16xi32>
    %swap3A_142 = vector.shape_cast %add3A_138 : vector<16xi32> to vector<16xi32>
    tpu.vector_store %arg11[%swap3A_139], %swap3A_142 {strides = array<i32>} : memref<128xi32, #tpu.memory_space<vmem>>, vector<16xi32>,
    %get3A_143 = arith.constant 112 : index
    %get3A_144 = tpu.vector_load %arg9[%get3A_143] {strides = array<i32>} : memref<128xi32, #tpu.memory_space<vmem>>, vector<16xi32>,
    %get3A_145 = vector.shape_cast %get3A_144 : vector<16xi32> to vector<16xi32>
    %add3A_146 = vector.broadcast %mul3A_26 : i32 to vector<16xi32>
    %add3A_147 = arith.addi %get3A_145, %add3A_146 : vector<16xi32>
    %swap3A_148 = arith.constant 112 : index
    %swap3A_149 = tpu.vector_load %arg11[%swap3A_148] {strides = array<i32>} : memref<128xi32, #tpu.memory_space<vmem>>, vector<16xi32>,
    %swap3A_150 = vector.shape_cast %swap3A_149 : vector<16xi32> to vector<16xi32>
    %swap3A_151 = vector.shape_cast %add3A_147 : vector<16xi32> to vector<16xi32>
    tpu.vector_store %arg11[%swap3A_148], %swap3A_151 {strides = array<i32>} : memref<128xi32, #tpu.memory_space<vmem>>, vector<16xi32>,
    %dma_start3A_152 = arith.constant 0 : i32
    %dma_start3A_153 = arith.constant 0 : i32
    %dma_start3A_154 = tpu.memref_slice %arg3[%dma_start3A_152, %dma_start3A_153] : memref<10000x16xf32, #tpu.memory_space<hbm>> -> memref<10000x16xf32, #tpu.memory_space<hbm>>
    tpu.enqueue_indirect_dma source(%dma_start3A_154 : memref<10000x16xf32, #tpu.memory_space<hbm>>) target(%arg12 : memref<128x16xf32, #tpu.memory_space<vmem>>) offsets(%arg9 : memref<128xi32, #tpu.memory_space<vmem>>) semaphore(%arg29 : memref<!tpu.dma_semaphore, #tpu.memory_space<semaphore_mem>>)
    %dma_start3A_155 = arith.constant 0 : i32
    %dma_start3A_156 = arith.constant 0 : i32
    %dma_start3A_157 = tpu.memref_slice %arg4[%dma_start3A_155, %dma_start3A_156] : memref<10000x16xf32, #tpu.memory_space<hbm>> -> memref<10000x16xf32, #tpu.memory_space<hbm>>
    tpu.enqueue_indirect_dma source(%dma_start3A_157 : memref<10000x16xf32, #tpu.memory_space<hbm>>) target(%arg13 : memref<128x16xf32, #tpu.memory_space<vmem>>) offsets(%arg10 : memref<128xi32, #tpu.memory_space<vmem>>) semaphore(%arg30 : memref<!tpu.dma_semaphore, #tpu.memory_space<semaphore_mem>>)
    %dma_start3A_158 = arith.constant 0 : i32
    %dma_start3A_159 = arith.constant 0 : i32
    %dma_start3A_160 = tpu.memref_slice %arg2[%dma_start3A_158, %dma_start3A_159] : memref<20000x64xf32, #tpu.memory_space<hbm>> -> memref<20000x64xf32, #tpu.memory_space<hbm>>
    tpu.enqueue_indirect_dma source(%dma_start3A_160 : memref<20000x64xf32, #tpu.memory_space<hbm>>) target(%arg14 : memref<128x64xf32, #tpu.memory_space<vmem>>) offsets(%arg11 : memref<128xi32, #tpu.memory_space<vmem>>) semaphore(%arg31 : memref<!tpu.dma_semaphore, #tpu.memory_space<semaphore_mem>>)
    %scan3A = arith.constant 0 : i32
    %scan3A_161 = arith.constant 0 : i32
    %scan3A_162 = arith.constant 79 : i32
    %scan3A_163 = arith.addi %scan3A_161, %scan3A_162 : i32
    %scan3A_164 = arith.constant 1 : i32
    %scan3A_165 = scf.for %scan3A_177 = %scan3A_161 to %scan3A_163 step %scan3A_164 iter_args(%scan3A_178 = %scan3A) -> (i32)  : i32 {
      %mul3A_179 = arith.constant 2 : i32
      %mul3A_180 = arith.muli %mul3A_179, %scan3A_177 : i32
      %add3A_181 = arith.constant 0 : i32
      %add3A_182 = arith.addi %mul3A_180, %add3A_181 : i32
      %dma_wait3A_183 = arith.constant 0 : i32
      %dma_wait3A_184 = arith.constant 0 : i32
      %dma_wait3A_185 = tpu.memref_slice %arg3[%dma_wait3A_183, %dma_wait3A_184] : memref<10000x16xf32, #tpu.memory_space<hbm>> -> memref<10000x16xf32, #tpu.memory_space<hbm>>
      tpu.wait_indirect_dma semaphore(%arg29 : memref<!tpu.dma_semaphore, #tpu.memory_space<semaphore_mem>>) src(%dma_wait3A_185 : memref<10000x16xf32, #tpu.memory_space<hbm>>) dst(%arg12 : memref<128x16xf32, #tpu.memory_space<vmem>>)
      %dma_wait3A_186 = arith.constant 0 : i32
      %dma_wait3A_187 = arith.constant 0 : i32
      %dma_wait3A_188 = tpu.memref_slice %arg4[%dma_wait3A_186, %dma_wait3A_187] : memref<10000x16xf32, #tpu.memory_space<hbm>> -> memref<10000x16xf32, #tpu.memory_space<hbm>>
      tpu.wait_indirect_dma semaphore(%arg30 : memref<!tpu.dma_semaphore, #tpu.memory_space<semaphore_mem>>) src(%dma_wait3A_188 : memref<10000x16xf32, #tpu.memory_space<hbm>>) dst(%arg13 : memref<128x16xf32, #tpu.memory_space<vmem>>)
      %dma_wait3A_189 = arith.constant 0 : i32
      %dma_wait3A_190 = arith.constant 0 : i32
      %dma_wait3A_191 = tpu.memref_slice %arg2[%dma_wait3A_189, %dma_wait3A_190] : memref<20000x64xf32, #tpu.memory_space<hbm>> -> memref<20000x64xf32, #tpu.memory_space<hbm>>
      tpu.wait_indirect_dma semaphore(%arg31 : memref<!tpu.dma_semaphore, #tpu.memory_space<semaphore_mem>>) src(%dma_wait3A_191 : memref<20000x64xf32, #tpu.memory_space<hbm>>) dst(%arg14 : memref<128x64xf32, #tpu.memory_space<vmem>>)
      %add3A_192 = arith.constant 1 : i32
      %add3A_193 = arith.addi %add3A_182, %add3A_192 : i32
      %sub3A_194 = arith.constant 1 : i32
      %sub3A_195 = arith.subi %add3A_24, %sub3A_194 : i32
      %min3A_196 = arith.minsi %add3A_193, %sub3A_195 : i32
      %mul3A_197 = arith.constant 16 : i32
      %mul3A_198 = arith.muli %min3A_196, %mul3A_197 : i32
      %add3A_199 = arith.addi %arg1, %mul3A_198 : i32
      %mul3A_200 = arith.constant 128 : i32
      %mul3A_201 = arith.muli %add3A_199, %mul3A_200 : i32
      %dma_wait3A_202 = tpu.memref_slice %arg5[%mul3A_201] : memref<320000xi32, #tpu.memory_space<hbm>> -> memref<128xi32, #tpu.memory_space<hbm>>
      %dma_wait3A_203 = tpu.memref_slice %arg5[%mul3A_201] : memref<320000xi32, #tpu.memory_space<hbm>> -> memref<128xi32, #tpu.memory_space<hbm>>
      tpu.wait_dma2 semaphore(%arg32 : memref<!tpu.dma_semaphore, #tpu.memory_space<semaphore_mem>>) src(%dma_wait3A_203 : memref<128xi32, #tpu.memory_space<hbm>>) dst(%arg16 : memref<128xi32, #tpu.memory_space<vmem>>)
      %dma_wait3A_204 = tpu.memref_slice %arg6[%mul3A_201] : memref<320000xi32, #tpu.memory_space<hbm>> -> memref<128xi32, #tpu.memory_space<hbm>>
      %dma_wait3A_205 = tpu.memref_slice %arg6[%mul3A_201] : memref<320000xi32, #tpu.memory_space<hbm>> -> memref<128xi32, #tpu.memory_space<hbm>>
      tpu.wait_dma2 semaphore(%arg33 : memref<!tpu.dma_semaphore, #tpu.memory_space<semaphore_mem>>) src(%dma_wait3A_205 : memref<128xi32, #tpu.memory_space<hbm>>) dst(%arg17 : memref<128xi32, #tpu.memory_space<vmem>>)
      %get3A_206 = arith.constant 0 : index
      %get3A_207 = tpu.vector_load %arg16[%get3A_206] {strides = array<i32>} : memref<128xi32, #tpu.memory_space<vmem>>, vector<16xi32>,
      %get3A_208 = vector.shape_cast %get3A_207 : vector<16xi32> to vector<16xi32>
      %add3A_209 = vector.broadcast %mul3A_26 : i32 to vector<16xi32>
      %add3A_210 = arith.addi %get3A_208, %add3A_209 : vector<16xi32>
      %swap3A_211 = arith.constant 0 : index
      %swap3A_212 = tpu.vector_load %arg18[%swap3A_211] {strides = array<i32>} : memref<128xi32, #tpu.memory_space<vmem>>, vector<16xi32>,
      %swap3A_213 = vector.shape_cast %swap3A_212 : vector<16xi32> to vector<16xi32>
      %swap3A_214 = vector.shape_cast %add3A_210 : vector<16xi32> to vector<16xi32>
      tpu.vector_store %arg18[%swap3A_211], %swap3A_214 {strides = array<i32>} : memref<128xi32, #tpu.memory_space<vmem>>, vector<16xi32>,
      %get3A_215 = arith.constant 16 : index
      %get3A_216 = tpu.vector_load %arg16[%get3A_215] {strides = array<i32>} : memref<128xi32, #tpu.memory_space<vmem>>, vector<16xi32>,
      %get3A_217 = vector.shape_cast %get3A_216 : vector<16xi32> to vector<16xi32>
      %add3A_218 = vector.broadcast %mul3A_26 : i32 to vector<16xi32>
      %add3A_219 = arith.addi %get3A_217, %add3A_218 : vector<16xi32>
      %swap3A_220 = arith.constant 16 : index
      %swap3A_221 = tpu.vector_load %arg18[%swap3A_220] {strides = array<i32>} : memref<128xi32, #tpu.memory_space<vmem>>, vector<16xi32>,
      %swap3A_222 = vector.shape_cast %swap3A_221 : vector<16xi32> to vector<16xi32>
      %swap3A_223 = vector.shape_cast %add3A_219 : vector<16xi32> to vector<16xi32>
      tpu.vector_store %arg18[%swap3A_220], %swap3A_223 {strides = array<i32>} : memref<128xi32, #tpu.memory_space<vmem>>, vector<16xi32>,
      %get3A_224 = arith.constant 32 : index
      %get3A_225 = tpu.vector_load %arg16[%get3A_224] {strides = array<i32>} : memref<128xi32, #tpu.memory_space<vmem>>, vector<16xi32>,
      %get3A_226 = vector.shape_cast %get3A_225 : vector<16xi32> to vector<16xi32>
      %add3A_227 = vector.broadcast %mul3A_26 : i32 to vector<16xi32>
      %add3A_228 = arith.addi %get3A_226, %add3A_227 : vector<16xi32>
      %swap3A_229 = arith.constant 32 : index
      %swap3A_230 = tpu.vector_load %arg18[%swap3A_229] {strides = array<i32>} : memref<128xi32, #tpu.memory_space<vmem>>, vector<16xi32>,
      %swap3A_231 = vector.shape_cast %swap3A_230 : vector<16xi32> to vector<16xi32>
      %swap3A_232 = vector.shape_cast %add3A_228 : vector<16xi32> to vector<16xi32>
      tpu.vector_store %arg18[%swap3A_229], %swap3A_232 {strides = array<i32>} : memref<128xi32, #tpu.memory_space<vmem>>, vector<16xi32>,
      %get3A_233 = arith.constant 48 : index
      %get3A_234 = tpu.vector_load %arg16[%get3A_233] {strides = array<i32>} : memref<128xi32, #tpu.memory_space<vmem>>, vector<16xi32>,
      %get3A_235 = vector.shape_cast %get3A_234 : vector<16xi32> to vector<16xi32>
      %add3A_236 = vector.broadcast %mul3A_26 : i32 to vector<16xi32>
      %add3A_237 = arith.addi %get3A_235, %add3A_236 : vector<16xi32>
      %swap3A_238 = arith.constant 48 : index
      %swap3A_239 = tpu.vector_load %arg18[%swap3A_238] {strides = array<i32>} : memref<128xi32, #tpu.memory_space<vmem>>, vector<16xi32>,
      %swap3A_240 = vector.shape_cast %swap3A_239 : vector<16xi32> to vector<16xi32>
      %swap3A_241 = vector.shape_cast %add3A_237 : vector<16xi32> to vector<16xi32>
      tpu.vector_store %arg18[%swap3A_238], %swap3A_241 {strides = array<i32>} : memref<128xi32, #tpu.memory_space<vmem>>, vector<16xi32>,
      %get3A_242 = arith.constant 64 : index
      %get3A_243 = tpu.vector_load %arg16[%get3A_242] {strides = array<i32>} : memref<128xi32, #tpu.memory_space<vmem>>, vector<16xi32>,
      %get3A_244 = vector.shape_cast %get3A_243 : vector<16xi32> to vector<16xi32>
      %add3A_245 = vector.broadcast %mul3A_26 : i32 to vector<16xi32>
      %add3A_246 = arith.addi %get3A_244, %add3A_245 : vector<16xi32>
      %swap3A_247 = arith.constant 64 : index
      %swap3A_248 = tpu.vector_load %arg18[%swap3A_247] {strides = array<i32>} : memref<128xi32, #tpu.memory_space<vmem>>, vector<16xi32>,
      %swap3A_249 = vector.shape_cast %swap3A_248 : vector<16xi32> to vector<16xi32>
      %swap3A_250 = vector.shape_cast %add3A_246 : vector<16xi32> to vector<16xi32>
      tpu.vector_store %arg18[%swap3A_247], %swap3A_250 {strides = array<i32>} : memref<128xi32, #tpu.memory_space<vmem>>, vector<16xi32>,
      %get3A_251 = arith.constant 80 : index
      %get3A_252 = tpu.vector_load %arg16[%get3A_251] {strides = array<i32>} : memref<128xi32, #tpu.memory_space<vmem>>, vector<16xi32>,
      %get3A_253 = vector.shape_cast %get3A_252 : vector<16xi32> to vector<16xi32>
      %add3A_254 = vector.broadcast %mul3A_26 : i32 to vector<16xi32>
      %add3A_255 = arith.addi %get3A_253, %add3A_254 : vector<16xi32>
      %swap3A_256 = arith.constant 80 : index
      %swap3A_257 = tpu.vector_load %arg18[%swap3A_256] {strides = array<i32>} : memref<128xi32, #tpu.memory_space<vmem>>, vector<16xi32>,
      %swap3A_258 = vector.shape_cast %swap3A_257 : vector<16xi32> to vector<16xi32>
      %swap3A_259 = vector.shape_cast %add3A_255 : vector<16xi32> to vector<16xi32>
      tpu.vector_store %arg18[%swap3A_256], %swap3A_259 {strides = array<i32>} : memref<128xi32, #tpu.memory_space<vmem>>, vector<16xi32>,
      %get3A_260 = arith.constant 96 : index
      %get3A_261 = tpu.vector_load %arg16[%get3A_260] {strides = array<i32>} : memref<128xi32, #tpu.memory_space<vmem>>, vector<16xi32>,
      %get3A_262 = vector.shape_cast %get3A_261 : vector<16xi32> to vector<16xi32>
      %add3A_263 = vector.broadcast %mul3A_26 : i32 to vector<16xi32>
      %add3A_264 = arith.addi %get3A_262, %add3A_263 : vector<16xi32>
      %swap3A_265 = arith.constant 96 : index
      %swap3A_266 = tpu.vector_load %arg18[%swap3A_265] {strides = array<i32>} : memref<128xi32, #tpu.memory_space<vmem>>, vector<16xi32>,
      %swap3A_267 = vector.shape_cast %swap3A_266 : vector<16xi32> to vector<16xi32>
      %swap3A_268 = vector.shape_cast %add3A_264 : vector<16xi32> to vector<16xi32>
      tpu.vector_store %arg18[%swap3A_265], %swap3A_268 {strides = array<i32>} : memref<128xi32, #tpu.memory_space<vmem>>, vector<16xi32>,
      %get3A_269 = arith.constant 112 : index
      %get3A_270 = tpu.vector_load %arg16[%get3A_269] {strides = array<i32>} : memref<128xi32, #tpu.memory_space<vmem>>, vector<16xi32>,
      %get3A_271 = vector.shape_cast %get3A_270 : vector<16xi32> to vector<16xi32>
      %add3A_272 = vector.broadcast %mul3A_26 : i32 to vector<16xi32>
      %add3A_273 = arith.addi %get3A_271, %add3A_272 : vector<16xi32>
      %swap3A_274 = arith.constant 112 : index
      %swap3A_275 = tpu.vector_load %arg18[%swap3A_274] {strides = array<i32>} : memref<128xi32, #tpu.memory_space<vmem>>, vector<16xi32>,
      %swap3A_276 = vector.shape_cast %swap3A_275 : vector<16xi32> to vector<16xi32>
      %swap3A_277 = vector.shape_cast %add3A_273 : vector<16xi32> to vector<16xi32>
      tpu.vector_store %arg18[%swap3A_274], %swap3A_277 {strides = array<i32>} : memref<128xi32, #tpu.memory_space<vmem>>, vector<16xi32>,
      %dma_start3A_278 = arith.constant 0 : i32
      %dma_start3A_279 = arith.constant 0 : i32
      %dma_start3A_280 = tpu.memref_slice %arg3[%dma_start3A_278, %dma_start3A_279] : memref<10000x16xf32, #tpu.memory_space<hbm>> -> memref<10000x16xf32, #tpu.memory_space<hbm>>
      tpu.enqueue_indirect_dma source(%dma_start3A_280 : memref<10000x16xf32, #tpu.memory_space<hbm>>) target(%arg19 : memref<128x16xf32, #tpu.memory_space<vmem>>) offsets(%arg16 : memref<128xi32, #tpu.memory_space<vmem>>) semaphore(%arg34 : memref<!tpu.dma_semaphore, #tpu.memory_space<semaphore_mem>>)
      %dma_start3A_281 = arith.constant 0 : i32
      %dma_start3A_282 = arith.constant 0 : i32
      %dma_start3A_283 = tpu.memref_slice %arg4[%dma_start3A_281, %dma_start3A_282] : memref<10000x16xf32, #tpu.memory_space<hbm>> -> memref<10000x16xf32, #tpu.memory_space<hbm>>
      tpu.enqueue_indirect_dma source(%dma_start3A_283 : memref<10000x16xf32, #tpu.memory_space<hbm>>) target(%arg20 : memref<128x16xf32, #tpu.memory_space<vmem>>) offsets(%arg17 : memref<128xi32, #tpu.memory_space<vmem>>) semaphore(%arg35 : memref<!tpu.dma_semaphore, #tpu.memory_space<semaphore_mem>>)
      %dma_start3A_284 = arith.constant 0 : i32
      %dma_start3A_285 = arith.constant 0 : i32
      %dma_start3A_286 = tpu.memref_slice %arg2[%dma_start3A_284, %dma_start3A_285] : memref<20000x64xf32, #tpu.memory_space<hbm>> -> memref<20000x64xf32, #tpu.memory_space<hbm>>
      tpu.enqueue_indirect_dma source(%dma_start3A_286 : memref<20000x64xf32, #tpu.memory_space<hbm>>) target(%arg21 : memref<128x64xf32, #tpu.memory_space<vmem>>) offsets(%arg18 : memref<128xi32, #tpu.memory_space<vmem>>) semaphore(%arg36 : memref<!tpu.dma_semaphore, #tpu.memory_space<semaphore_mem>>)
      %parallel_loop3A_287 = arith.constant 0 : i32
      %parallel_loop3A_288 = arith.constant 128 : i32
      %parallel_loop3A_289 = arith.constant 1 : i32
      scf.for %parallel_loop3A_438 = %parallel_loop3A_287 to %parallel_loop3A_288 step %parallel_loop3A_289  : i32 {
        %parallel_loop3A_439 = arith.index_cast %parallel_loop3A_438 : i32 to index
        %parallel_loop3A_440 = arith.constant 0 : index
        %parallel_loop3A_441 = tpu.vector_load %arg12[%parallel_loop3A_439, %parallel_loop3A_440] {strides = array<i32>} : memref<128x16xf32, #tpu.memory_space<vmem>>, vector<1x16xf32>,
        %parallel_loop3A_442 = vector.shape_cast %parallel_loop3A_441 : vector<1x16xf32> to vector<16xf32>
        %parallel_loop3A_443 = arith.index_cast %parallel_loop3A_438 : i32 to index
        %parallel_loop3A_444 = arith.constant 0 : index
        %parallel_loop3A_445 = tpu.vector_load %arg13[%parallel_loop3A_443, %parallel_loop3A_444] {strides = array<i32>} : memref<128x16xf32, #tpu.memory_space<vmem>>, vector<1x16xf32>,
        %parallel_loop3A_446 = vector.shape_cast %parallel_loop3A_445 : vector<1x16xf32> to vector<16xf32>
        %parallel_loop3A_447 = arith.addf %parallel_loop3A_442, %parallel_loop3A_446 : vector<16xf32>
        %parallel_loop3A_448 = arith.constant 0.000000e+00 : f32
        %parallel_loop3A_449 = vector.broadcast %parallel_loop3A_448 : f32 to vector<16xf32>
        %parallel_loop3A_450 = arith.cmpf oge, %parallel_loop3A_447, %parallel_loop3A_449 : vector<16xf32>
        %parallel_loop3A_451 = arith.constant 2.000000e-01 : f32
        %parallel_loop3A_452 = vector.broadcast %parallel_loop3A_451 : f32 to vector<16xf32>
        %parallel_loop3A_453 = arith.mulf %parallel_loop3A_447, %parallel_loop3A_452 : vector<16xf32>
        %parallel_loop3A_454 = arith.select %parallel_loop3A_450, %parallel_loop3A_447, %parallel_loop3A_453 : vector<16xi1>, vector<16xf32>
        %parallel_loop3A_455 = math.exp %parallel_loop3A_454 : vector<16xf32>
        %parallel_loop3A_456 = arith.index_cast %parallel_loop3A_438 : i32 to index
        %parallel_loop3A_457 = arith.constant 0 : index
        %parallel_loop3A_458 = tpu.vector_load %arg15[%parallel_loop3A_456, %parallel_loop3A_457] {strides = array<i32>} : memref<128x16xf32, #tpu.memory_space<vmem>>, vector<1x16xf32>,
        %parallel_loop3A_459 = vector.shape_cast %parallel_loop3A_458 : vector<1x16xf32> to vector<16xf32>
        %parallel_loop3A_460 = vector.shape_cast %parallel_loop3A_455 : vector<16xf32> to vector<1x16xf32>
        tpu.vector_store %arg15[%parallel_loop3A_456, %parallel_loop3A_457], %parallel_loop3A_460 {strides = array<i32>} : memref<128x16xf32, #tpu.memory_space<vmem>>, vector<1x16xf32>,
        %parallel_loop3A_461 = arith.index_cast %parallel_loop3A_438 : i32 to index
        %parallel_loop3A_462 = arith.constant 0 : index
        %parallel_loop3A_463 = tpu.vector_load %arg14[%parallel_loop3A_461, %parallel_loop3A_462] {strides = array<i32>} : memref<128x64xf32, #tpu.memory_space<vmem>>, vector<1x16xf32>,
        %parallel_loop3A_464 = vector.shape_cast %parallel_loop3A_463 : vector<1x16xf32> to vector<16xf32>
        %parallel_loop3A_465 = vector.shape_cast %broadcast_in_dim3A_31 : vector<16xi32> to vector<16x1xi32>
        %parallel_loop3A_466 = vector.shape_cast %parallel_loop3A_465 : vector<16x1xi32> to vector<16xi32>
        %parallel_loop3A_467 = tpu.dynamic_gather %parallel_loop3A_455[%parallel_loop3A_466] in [0] : vector<16xf32>, vector<16xi32> -> vector<16xf32>
        %parallel_loop3A_468 = arith.mulf %parallel_loop3A_464, %parallel_loop3A_467 : vector<16xf32>
        %parallel_loop3A_469 = arith.index_cast %parallel_loop3A_438 : i32 to index
        %parallel_loop3A_470 = arith.constant 0 : index
        %parallel_loop3A_471 = tpu.vector_load %arg14[%parallel_loop3A_469, %parallel_loop3A_470] {strides = array<i32>} : memref<128x64xf32, #tpu.memory_space<vmem>>, vector<1x16xf32>,
        %parallel_loop3A_472 = vector.shape_cast %parallel_loop3A_471 : vector<1x16xf32> to vector<16xf32>
        %parallel_loop3A_473 = vector.shape_cast %parallel_loop3A_468 : vector<16xf32> to vector<1x16xf32>
        tpu.vector_store %arg14[%parallel_loop3A_469, %parallel_loop3A_470], %parallel_loop3A_473 {strides = array<i32>} : memref<128x64xf32, #tpu.memory_space<vmem>>, vector<1x16xf32>,
        %parallel_loop3A_474 = arith.index_cast %parallel_loop3A_438 : i32 to index
        %parallel_loop3A_475 = arith.constant 16 : index
        %parallel_loop3A_476 = tpu.vector_load %arg14[%parallel_loop3A_474, %parallel_loop3A_475] {strides = array<i32>} : memref<128x64xf32, #tpu.memory_space<vmem>>, vector<1x16xf32>,
        %parallel_loop3A_477 = vector.shape_cast %parallel_loop3A_476 : vector<1x16xf32> to vector<16xf32>
        %parallel_loop3A_478 = vector.shape_cast %broadcast_in_dim3A_36 : vector<16xi32> to vector<16x1xi32>
        %parallel_loop3A_479 = vector.shape_cast %parallel_loop3A_478 : vector<16x1xi32> to vector<16xi32>
        %parallel_loop3A_480 = tpu.dynamic_gather %parallel_loop3A_455[%parallel_loop3A_479] in [0] : vector<16xf32>, vector<16xi32> -> vector<16xf32>
        %parallel_loop3A_481 = arith.mulf %parallel_loop3A_477, %parallel_loop3A_480 : vector<16xf32>
        %parallel_loop3A_482 = arith.index_cast %parallel_loop3A_438 : i32 to index
        %parallel_loop3A_483 = arith.constant 16 : index
        %parallel_loop3A_484 = tpu.vector_load %arg14[%parallel_loop3A_482, %parallel_loop3A_483] {strides = array<i32>} : memref<128x64xf32, #tpu.memory_space<vmem>>, vector<1x16xf32>,
        %parallel_loop3A_485 = vector.shape_cast %parallel_loop3A_484 : vector<1x16xf32> to vector<16xf32>
        %parallel_loop3A_486 = vector.shape_cast %parallel_loop3A_481 : vector<16xf32> to vector<1x16xf32>
        tpu.vector_store %arg14[%parallel_loop3A_482, %parallel_loop3A_483], %parallel_loop3A_486 {strides = array<i32>} : memref<128x64xf32, #tpu.memory_space<vmem>>, vector<1x16xf32>,
        %parallel_loop3A_487 = arith.index_cast %parallel_loop3A_438 : i32 to index
        %parallel_loop3A_488 = arith.constant 32 : index
        %parallel_loop3A_489 = tpu.vector_load %arg14[%parallel_loop3A_487, %parallel_loop3A_488] {strides = array<i32>} : memref<128x64xf32, #tpu.memory_space<vmem>>, vector<1x16xf32>,
        %parallel_loop3A_490 = vector.shape_cast %parallel_loop3A_489 : vector<1x16xf32> to vector<16xf32>
        %parallel_loop3A_491 = vector.shape_cast %broadcast_in_dim3A_41 : vector<16xi32> to vector<16x1xi32>
        %parallel_loop3A_492 = vector.shape_cast %parallel_loop3A_491 : vector<16x1xi32> to vector<16xi32>
        %parallel_loop3A_493 = tpu.dynamic_gather %parallel_loop3A_455[%parallel_loop3A_492] in [0] : vector<16xf32>, vector<16xi32> -> vector<16xf32>
        %parallel_loop3A_494 = arith.mulf %parallel_loop3A_490, %parallel_loop3A_493 : vector<16xf32>
        %parallel_loop3A_495 = arith.index_cast %parallel_loop3A_438 : i32 to index
        %parallel_loop3A_496 = arith.constant 32 : index
        %parallel_loop3A_497 = tpu.vector_load %arg14[%parallel_loop3A_495, %parallel_loop3A_496] {strides = array<i32>} : memref<128x64xf32, #tpu.memory_space<vmem>>, vector<1x16xf32>,
        %parallel_loop3A_498 = vector.shape_cast %parallel_loop3A_497 : vector<1x16xf32> to vector<16xf32>
        %parallel_loop3A_499 = vector.shape_cast %parallel_loop3A_494 : vector<16xf32> to vector<1x16xf32>
        tpu.vector_store %arg14[%parallel_loop3A_495, %parallel_loop3A_496], %parallel_loop3A_499 {strides = array<i32>} : memref<128x64xf32, #tpu.memory_space<vmem>>, vector<1x16xf32>,
        %parallel_loop3A_500 = arith.index_cast %parallel_loop3A_438 : i32 to index
        %parallel_loop3A_501 = arith.constant 48 : index
        %parallel_loop3A_502 = tpu.vector_load %arg14[%parallel_loop3A_500, %parallel_loop3A_501] {strides = array<i32>} : memref<128x64xf32, #tpu.memory_space<vmem>>, vector<1x16xf32>,
        %parallel_loop3A_503 = vector.shape_cast %parallel_loop3A_502 : vector<1x16xf32> to vector<16xf32>
        %parallel_loop3A_504 = vector.shape_cast %broadcast_in_dim3A_46 : vector<16xi32> to vector<16x1xi32>
        %parallel_loop3A_505 = vector.shape_cast %parallel_loop3A_504 : vector<16x1xi32> to vector<16xi32>
        %parallel_loop3A_506 = tpu.dynamic_gather %parallel_loop3A_455[%parallel_loop3A_505] in [0] : vector<16xf32>, vector<16xi32> -> vector<16xf32>
        %parallel_loop3A_507 = arith.mulf %parallel_loop3A_503, %parallel_loop3A_506 : vector<16xf32>
        %parallel_loop3A_508 = arith.index_cast %parallel_loop3A_438 : i32 to index
        %parallel_loop3A_509 = arith.constant 48 : index
        %parallel_loop3A_510 = tpu.vector_load %arg14[%parallel_loop3A_508, %parallel_loop3A_509] {strides = array<i32>} : memref<128x64xf32, #tpu.memory_space<vmem>>, vector<1x16xf32>,
        %parallel_loop3A_511 = vector.shape_cast %parallel_loop3A_510 : vector<1x16xf32> to vector<16xf32>
        %parallel_loop3A_512 = vector.shape_cast %parallel_loop3A_507 : vector<16xf32> to vector<1x16xf32>
        tpu.vector_store %arg14[%parallel_loop3A_508, %parallel_loop3A_509], %parallel_loop3A_512 {strides = array<i32>} : memref<128x64xf32, #tpu.memory_space<vmem>>, vector<1x16xf32>,
      } {sc.loop_unroll_factor = 4 : i64, sc.parallel_access}
      %lt3A_290 = arith.cmpi slt, %add3A_182, %add3A_24 : i32
      %convert_element_type3A_291 = arith.extui %lt3A_290 : i1 to i32
      %cond3A_292 = arith.constant 0 : i32
      %cond3A_293 = arith.cmpi ne, %convert_element_type3A_291, %cond3A_292 : i32
      scf.if %cond3A_293 {
        "tpu.region"() ({
          %run_scoped3A = tpu.sem_alloc : memref<!tpu.dma_semaphore, #tpu.memory_space<semaphore_mem>>
          %dma_start3A_438 = arith.constant 0 : i32
          %dma_start3A_439 = arith.constant 0 : i32
          %dma_start3A_440 = tpu.memref_slice %arg26[%dma_start3A_438, %dma_start3A_439] : memref<10000x16xf32, #tpu.memory_space<vmem_shared>> -> memref<10000x16xf32, #tpu.memory_space<vmem_shared>>
          tpu.enqueue_indirect_dma source(%arg15 : memref<128x16xf32, #tpu.memory_space<vmem>>) target(%dma_start3A_440 : memref<10000x16xf32, #tpu.memory_space<vmem_shared>>) offsets(%arg10 : memref<128xi32, #tpu.memory_space<vmem>>) semaphore(%run_scoped3A : memref<!tpu.dma_semaphore, #tpu.memory_space<semaphore_mem>>) {add = true}
          %dma_wait3A_441 = arith.constant 0 : i32
          %dma_wait3A_442 = arith.constant 0 : i32
          %dma_wait3A_443 = tpu.memref_slice %arg26[%dma_wait3A_441, %dma_wait3A_442] : memref<10000x16xf32, #tpu.memory_space<vmem_shared>> -> memref<10000x16xf32, #tpu.memory_space<vmem_shared>>
          tpu.wait_indirect_dma semaphore(%run_scoped3A : memref<!tpu.dma_semaphore, #tpu.memory_space<semaphore_mem>>) src(%arg15 : memref<128x16xf32, #tpu.memory_space<vmem>>) dst(%dma_wait3A_443 : memref<10000x16xf32, #tpu.memory_space<vmem_shared>>)
          tpu.yield
        }) : () -> ()
        "tpu.region"() ({
          %run_scoped3A = tpu.sem_alloc : memref<!tpu.dma_semaphore, #tpu.memory_space<semaphore_mem>>
          %dma_start3A_438 = arith.constant 0 : i32
          %dma_start3A_439 = arith.constant 0 : i32
          %dma_start3A_440 = tpu.memref_slice %arg25[%dma_start3A_438, %dma_start3A_439] : memref<10000x64xf32, #tpu.memory_space<vmem_shared>> -> memref<10000x64xf32, #tpu.memory_space<vmem_shared>>
          tpu.enqueue_indirect_dma source(%arg14 : memref<128x64xf32, #tpu.memory_space<vmem>>) target(%dma_start3A_440 : memref<10000x64xf32, #tpu.memory_space<vmem_shared>>) offsets(%arg10 : memref<128xi32, #tpu.memory_space<vmem>>) semaphore(%run_scoped3A : memref<!tpu.dma_semaphore, #tpu.memory_space<semaphore_mem>>) {add = true}
          %dma_wait3A_441 = arith.constant 0 : i32
          %dma_wait3A_442 = arith.constant 0 : i32
          %dma_wait3A_443 = tpu.memref_slice %arg25[%dma_wait3A_441, %dma_wait3A_442] : memref<10000x64xf32, #tpu.memory_space<vmem_shared>> -> memref<10000x64xf32, #tpu.memory_space<vmem_shared>>
          tpu.wait_indirect_dma semaphore(%run_scoped3A : memref<!tpu.dma_semaphore, #tpu.memory_space<semaphore_mem>>) src(%arg14 : memref<128x64xf32, #tpu.memory_space<vmem>>) dst(%dma_wait3A_443 : memref<10000x64xf32, #tpu.memory_space<vmem_shared>>)
          tpu.yield
        }) : () -> ()
      } else {
      }
      %add3A_294 = arith.constant 2 : i32
      %add3A_295 = arith.addi %add3A_182, %add3A_294 : i32
      %sub3A_296 = arith.constant 1 : i32
      %sub3A_297 = arith.subi %add3A_24, %sub3A_296 : i32
      %min3A_298 = arith.minsi %add3A_295, %sub3A_297 : i32
      %mul3A_299 = arith.constant 16 : i32
      %mul3A_300 = arith.muli %min3A_298, %mul3A_299 : i32
      %add3A_301 = arith.addi %arg1, %mul3A_300 : i32
      %mul3A_302 = arith.constant 128 : i32
      %mul3A_303 = arith.muli %add3A_301, %mul3A_302 : i32
      %dma_start3A_304 = tpu.memref_slice %arg5[%mul3A_303] : memref<320000xi32, #tpu.memory_space<hbm>> -> memref<128xi32, #tpu.memory_space<hbm>>
      %dma_start3A_305 = tpu.memref_slice %arg5[%mul3A_303] : memref<320000xi32, #tpu.memory_space<hbm>> -> memref<128xi32, #tpu.memory_space<hbm>>
      tpu.enqueue_dma source(%dma_start3A_305 : memref<128xi32, #tpu.memory_space<hbm>>) target(%arg9 : memref<128xi32, #tpu.memory_space<vmem>>) target_semaphore(%arg27 : memref<!tpu.dma_semaphore, #tpu.memory_space<semaphore_mem>>)
      %dma_start3A_306 = tpu.memref_slice %arg6[%mul3A_303] : memref<320000xi32, #tpu.memory_space<hbm>> -> memref<128xi32, #tpu.memory_space<hbm>>
      %dma_start3A_307 = tpu.memref_slice %arg6[%mul3A_303] : memref<320000xi32, #tpu.memory_space<hbm>> -> memref<128xi32, #tpu.memory_space<hbm>>
      tpu.enqueue_dma source(%dma_start3A_307 : memref<128xi32, #tpu.memory_space<hbm>>) target(%arg10 : memref<128xi32, #tpu.memory_space<vmem>>) target_semaphore(%arg28 : memref<!tpu.dma_semaphore, #tpu.memory_space<semaphore_mem>>)
      %mul3A_308 = arith.constant 2 : i32
      %mul3A_309 = arith.muli %mul3A_308, %scan3A_177 : i32
      %add3A_310 = arith.constant 1 : i32
      %add3A_311 = arith.addi %mul3A_309, %add3A_310 : i32
      %dma_wait3A_312 = arith.constant 0 : i32
      %dma_wait3A_313 = arith.constant 0 : i32
      %dma_wait3A_314 = tpu.memref_slice %arg3[%dma_wait3A_312, %dma_wait3A_313] : memref<10000x16xf32, #tpu.memory_space<hbm>> -> memref<10000x16xf32, #tpu.memory_space<hbm>>
      tpu.wait_indirect_dma semaphore(%arg34 : memref<!tpu.dma_semaphore, #tpu.memory_space<semaphore_mem>>) src(%dma_wait3A_314 : memref<10000x16xf32, #tpu.memory_space<hbm>>) dst(%arg19 : memref<128x16xf32, #tpu.memory_space<vmem>>)
      %dma_wait3A_315 = arith.constant 0 : i32
      %dma_wait3A_316 = arith.constant 0 : i32
      %dma_wait3A_317 = tpu.memref_slice %arg4[%dma_wait3A_315, %dma_wait3A_316] : memref<10000x16xf32, #tpu.memory_space<hbm>> -> memref<10000x16xf32, #tpu.memory_space<hbm>>
      tpu.wait_indirect_dma semaphore(%arg35 : memref<!tpu.dma_semaphore, #tpu.memory_space<semaphore_mem>>) src(%dma_wait3A_317 : memref<10000x16xf32, #tpu.memory_space<hbm>>) dst(%arg20 : memref<128x16xf32, #tpu.memory_space<vmem>>)
      %dma_wait3A_318 = arith.constant 0 : i32
      %dma_wait3A_319 = arith.constant 0 : i32
      %dma_wait3A_320 = tpu.memref_slice %arg2[%dma_wait3A_318, %dma_wait3A_319] : memref<20000x64xf32, #tpu.memory_space<hbm>> -> memref<20000x64xf32, #tpu.memory_space<hbm>>
      tpu.wait_indirect_dma semaphore(%arg36 : memref<!tpu.dma_semaphore, #tpu.memory_space<semaphore_mem>>) src(%dma_wait3A_320 : memref<20000x64xf32, #tpu.memory_space<hbm>>) dst(%arg21 : memref<128x64xf32, #tpu.memory_space<vmem>>)
      %add3A_321 = arith.constant 1 : i32
      %add3A_322 = arith.addi %add3A_311, %add3A_321 : i32
      %sub3A_323 = arith.constant 1 : i32
      %sub3A_324 = arith.subi %add3A_24, %sub3A_323 : i32
      %min3A_325 = arith.minsi %add3A_322, %sub3A_324 : i32
      %mul3A_326 = arith.constant 16 : i32
      %mul3A_327 = arith.muli %min3A_325, %mul3A_326 : i32
      %add3A_328 = arith.addi %arg1, %mul3A_327 : i32
      %mul3A_329 = arith.constant 128 : i32
      %mul3A_330 = arith.muli %add3A_328, %mul3A_329 : i32
      %dma_wait3A_331 = tpu.memref_slice %arg5[%mul3A_330] : memref<320000xi32, #tpu.memory_space<hbm>> -> memref<128xi32, #tpu.memory_space<hbm>>
      %dma_wait3A_332 = tpu.memref_slice %arg5[%mul3A_330] : memref<320000xi32, #tpu.memory_space<hbm>> -> memref<128xi32, #tpu.memory_space<hbm>>
      tpu.wait_dma2 semaphore(%arg27 : memref<!tpu.dma_semaphore, #tpu.memory_space<semaphore_mem>>) src(%dma_wait3A_332 : memref<128xi32, #tpu.memory_space<hbm>>) dst(%arg9 : memref<128xi32, #tpu.memory_space<vmem>>)
      %dma_wait3A_333 = tpu.memref_slice %arg6[%mul3A_330] : memref<320000xi32, #tpu.memory_space<hbm>> -> memref<128xi32, #tpu.memory_space<hbm>>
      %dma_wait3A_334 = tpu.memref_slice %arg6[%mul3A_330] : memref<320000xi32, #tpu.memory_space<hbm>> -> memref<128xi32, #tpu.memory_space<hbm>>
      tpu.wait_dma2 semaphore(%arg28 : memref<!tpu.dma_semaphore, #tpu.memory_space<semaphore_mem>>) src(%dma_wait3A_334 : memref<128xi32, #tpu.memory_space<hbm>>) dst(%arg10 : memref<128xi32, #tpu.memory_space<vmem>>)
      %get3A_335 = arith.constant 0 : index
      %get3A_336 = tpu.vector_load %arg9[%get3A_335] {strides = array<i32>} : memref<128xi32, #tpu.memory_space<vmem>>, vector<16xi32>,
      %get3A_337 = vector.shape_cast %get3A_336 : vector<16xi32> to vector<16xi32>
      %add3A_338 = vector.broadcast %mul3A_26 : i32 to vector<16xi32>
      %add3A_339 = arith.addi %get3A_337, %add3A_338 : vector<16xi32>
      %swap3A_340 = arith.constant 0 : index
      %swap3A_341 = tpu.vector_load %arg11[%swap3A_340] {strides = array<i32>} : memref<128xi32, #tpu.memory_space<vmem>>, vector<16xi32>,
      %swap3A_342 = vector.shape_cast %swap3A_341 : vector<16xi32> to vector<16xi32>
      %swap3A_343 = vector.shape_cast %add3A_339 : vector<16xi32> to vector<16xi32>
      tpu.vector_store %arg11[%swap3A_340], %swap3A_343 {strides = array<i32>} : memref<128xi32, #tpu.memory_space<vmem>>, vector<16xi32>,
      %get3A_344 = arith.constant 16 : index
      %get3A_345 = tpu.vector_load %arg9[%get3A_344] {strides = array<i32>} : memref<128xi32, #tpu.memory_space<vmem>>, vector<16xi32>,
      %get3A_346 = vector.shape_cast %get3A_345 : vector<16xi32> to vector<16xi32>
      %add3A_347 = vector.broadcast %mul3A_26 : i32 to vector<16xi32>
      %add3A_348 = arith.addi %get3A_346, %add3A_347 : vector<16xi32>
      %swap3A_349 = arith.constant 16 : index
      %swap3A_350 = tpu.vector_load %arg11[%swap3A_349] {strides = array<i32>} : memref<128xi32, #tpu.memory_space<vmem>>, vector<16xi32>,
      %swap3A_351 = vector.shape_cast %swap3A_350 : vector<16xi32> to vector<16xi32>
      %swap3A_352 = vector.shape_cast %add3A_348 : vector<16xi32> to vector<16xi32>
      tpu.vector_store %arg11[%swap3A_349], %swap3A_352 {strides = array<i32>} : memref<128xi32, #tpu.memory_space<vmem>>, vector<16xi32>,
      %get3A_353 = arith.constant 32 : index
      %get3A_354 = tpu.vector_load %arg9[%get3A_353] {strides = array<i32>} : memref<128xi32, #tpu.memory_space<vmem>>, vector<16xi32>,
      %get3A_355 = vector.shape_cast %get3A_354 : vector<16xi32> to vector<16xi32>
      %add3A_356 = vector.broadcast %mul3A_26 : i32 to vector<16xi32>
      %add3A_357 = arith.addi %get3A_355, %add3A_356 : vector<16xi32>
      %swap3A_358 = arith.constant 32 : index
      %swap3A_359 = tpu.vector_load %arg11[%swap3A_358] {strides = array<i32>} : memref<128xi32, #tpu.memory_space<vmem>>, vector<16xi32>,
      %swap3A_360 = vector.shape_cast %swap3A_359 : vector<16xi32> to vector<16xi32>
      %swap3A_361 = vector.shape_cast %add3A_357 : vector<16xi32> to vector<16xi32>
      tpu.vector_store %arg11[%swap3A_358], %swap3A_361 {strides = array<i32>} : memref<128xi32, #tpu.memory_space<vmem>>, vector<16xi32>,
      %get3A_362 = arith.constant 48 : index
      %get3A_363 = tpu.vector_load %arg9[%get3A_362] {strides = array<i32>} : memref<128xi32, #tpu.memory_space<vmem>>, vector<16xi32>,
      %get3A_364 = vector.shape_cast %get3A_363 : vector<16xi32> to vector<16xi32>
      %add3A_365 = vector.broadcast %mul3A_26 : i32 to vector<16xi32>
      %add3A_366 = arith.addi %get3A_364, %add3A_365 : vector<16xi32>
      %swap3A_367 = arith.constant 48 : index
      %swap3A_368 = tpu.vector_load %arg11[%swap3A_367] {strides = array<i32>} : memref<128xi32, #tpu.memory_space<vmem>>, vector<16xi32>,
      %swap3A_369 = vector.shape_cast %swap3A_368 : vector<16xi32> to vector<16xi32>
      %swap3A_370 = vector.shape_cast %add3A_366 : vector<16xi32> to vector<16xi32>
      tpu.vector_store %arg11[%swap3A_367], %swap3A_370 {strides = array<i32>} : memref<128xi32, #tpu.memory_space<vmem>>, vector<16xi32>,
      %get3A_371 = arith.constant 64 : index
      %get3A_372 = tpu.vector_load %arg9[%get3A_371] {strides = array<i32>} : memref<128xi32, #tpu.memory_space<vmem>>, vector<16xi32>,
      %get3A_373 = vector.shape_cast %get3A_372 : vector<16xi32> to vector<16xi32>
      %add3A_374 = vector.broadcast %mul3A_26 : i32 to vector<16xi32>
      %add3A_375 = arith.addi %get3A_373, %add3A_374 : vector<16xi32>
      %swap3A_376 = arith.constant 64 : index
      %swap3A_377 = tpu.vector_load %arg11[%swap3A_376] {strides = array<i32>} : memref<128xi32, #tpu.memory_space<vmem>>, vector<16xi32>,
      %swap3A_378 = vector.shape_cast %swap3A_377 : vector<16xi32> to vector<16xi32>
      %swap3A_379 = vector.shape_cast %add3A_375 : vector<16xi32> to vector<16xi32>
      tpu.vector_store %arg11[%swap3A_376], %swap3A_379 {strides = array<i32>} : memref<128xi32, #tpu.memory_space<vmem>>, vector<16xi32>,
      %get3A_380 = arith.constant 80 : index
      %get3A_381 = tpu.vector_load %arg9[%get3A_380] {strides = array<i32>} : memref<128xi32, #tpu.memory_space<vmem>>, vector<16xi32>,
      %get3A_382 = vector.shape_cast %get3A_381 : vector<16xi32> to vector<16xi32>
      %add3A_383 = vector.broadcast %mul3A_26 : i32 to vector<16xi32>
      %add3A_384 = arith.addi %get3A_382, %add3A_383 : vector<16xi32>
      %swap3A_385 = arith.constant 80 : index
      %swap3A_386 = tpu.vector_load %arg11[%swap3A_385] {strides = array<i32>} : memref<128xi32, #tpu.memory_space<vmem>>, vector<16xi32>,
      %swap3A_387 = vector.shape_cast %swap3A_386 : vector<16xi32> to vector<16xi32>
      %swap3A_388 = vector.shape_cast %add3A_384 : vector<16xi32> to vector<16xi32>
      tpu.vector_store %arg11[%swap3A_385], %swap3A_388 {strides = array<i32>} : memref<128xi32, #tpu.memory_space<vmem>>, vector<16xi32>,
      %get3A_389 = arith.constant 96 : index
      %get3A_390 = tpu.vector_load %arg9[%get3A_389] {strides = array<i32>} : memref<128xi32, #tpu.memory_space<vmem>>, vector<16xi32>,
      %get3A_391 = vector.shape_cast %get3A_390 : vector<16xi32> to vector<16xi32>
      %add3A_392 = vector.broadcast %mul3A_26 : i32 to vector<16xi32>
      %add3A_393 = arith.addi %get3A_391, %add3A_392 : vector<16xi32>
      %swap3A_394 = arith.constant 96 : index
      %swap3A_395 = tpu.vector_load %arg11[%swap3A_394] {strides = array<i32>} : memref<128xi32, #tpu.memory_space<vmem>>, vector<16xi32>,
      %swap3A_396 = vector.shape_cast %swap3A_395 : vector<16xi32> to vector<16xi32>
      %swap3A_397 = vector.shape_cast %add3A_393 : vector<16xi32> to vector<16xi32>
      tpu.vector_store %arg11[%swap3A_394], %swap3A_397 {strides = array<i32>} : memref<128xi32, #tpu.memory_space<vmem>>, vector<16xi32>,
      %get3A_398 = arith.constant 112 : index
      %get3A_399 = tpu.vector_load %arg9[%get3A_398] {strides = array<i32>} : memref<128xi32, #tpu.memory_space<vmem>>, vector<16xi32>,
      %get3A_400 = vector.shape_cast %get3A_399 : vector<16xi32> to vector<16xi32>
      %add3A_401 = vector.broadcast %mul3A_26 : i32 to vector<16xi32>
      %add3A_402 = arith.addi %get3A_400, %add3A_401 : vector<16xi32>
      %swap3A_403 = arith.constant 112 : index
      %swap3A_404 = tpu.vector_load %arg11[%swap3A_403] {strides = array<i32>} : memref<128xi32, #tpu.memory_space<vmem>>, vector<16xi32>,
      %swap3A_405 = vector.shape_cast %swap3A_404 : vector<16xi32> to vector<16xi32>
      %swap3A_406 = vector.shape_cast %add3A_402 : vector<16xi32> to vector<16xi32>
      tpu.vector_store %arg11[%swap3A_403], %swap3A_406 {strides = array<i32>} : memref<128xi32, #tpu.memory_space<vmem>>, vector<16xi32>,
      %dma_start3A_407 = arith.constant 0 : i32
      %dma_start3A_408 = arith.constant 0 : i32
      %dma_start3A_409 = tpu.memref_slice %arg3[%dma_start3A_407, %dma_start3A_408] : memref<10000x16xf32, #tpu.memory_space<hbm>> -> memref<10000x16xf32, #tpu.memory_space<hbm>>
      tpu.enqueue_indirect_dma source(%dma_start3A_409 : memref<10000x16xf32, #tpu.memory_space<hbm>>) target(%arg12 : memref<128x16xf32, #tpu.memory_space<vmem>>) offsets(%arg9 : memref<128xi32, #tpu.memory_space<vmem>>) semaphore(%arg29 : memref<!tpu.dma_semaphore, #tpu.memory_space<semaphore_mem>>)
      %dma_start3A_410 = arith.constant 0 : i32
      %dma_start3A_411 = arith.constant 0 : i32
      %dma_start3A_412 = tpu.memref_slice %arg4[%dma_start3A_410, %dma_start3A_411] : memref<10000x16xf32, #tpu.memory_space<hbm>> -> memref<10000x16xf32, #tpu.memory_space<hbm>>
      tpu.enqueue_indirect_dma source(%dma_start3A_412 : memref<10000x16xf32, #tpu.memory_space<hbm>>) target(%arg13 : memref<128x16xf32, #tpu.memory_space<vmem>>) offsets(%arg10 : memref<128xi32, #tpu.memory_space<vmem>>) semaphore(%arg30 : memref<!tpu.dma_semaphore, #tpu.memory_space<semaphore_mem>>)
      %dma_start3A_413 = arith.constant 0 : i32
      %dma_start3A_414 = arith.constant 0 : i32
      %dma_start3A_415 = tpu.memref_slice %arg2[%dma_start3A_413, %dma_start3A_414] : memref<20000x64xf32, #tpu.memory_space<hbm>> -> memref<20000x64xf32, #tpu.memory_space<hbm>>
      tpu.enqueue_indirect_dma source(%dma_start3A_415 : memref<20000x64xf32, #tpu.memory_space<hbm>>) target(%arg14 : memref<128x64xf32, #tpu.memory_space<vmem>>) offsets(%arg11 : memref<128xi32, #tpu.memory_space<vmem>>) semaphore(%arg31 : memref<!tpu.dma_semaphore, #tpu.memory_space<semaphore_mem>>)
      %parallel_loop3A_416 = arith.constant 0 : i32
      %parallel_loop3A_417 = arith.constant 128 : i32
      %parallel_loop3A_418 = arith.constant 1 : i32
      scf.for %parallel_loop3A_438 = %parallel_loop3A_416 to %parallel_loop3A_417 step %parallel_loop3A_418  : i32 {
        %parallel_loop3A_439 = arith.index_cast %parallel_loop3A_438 : i32 to index
        %parallel_loop3A_440 = arith.constant 0 : index
        %parallel_loop3A_441 = tpu.vector_load %arg19[%parallel_loop3A_439, %parallel_loop3A_440] {strides = array<i32>} : memref<128x16xf32, #tpu.memory_space<vmem>>, vector<1x16xf32>,
        %parallel_loop3A_442 = vector.shape_cast %parallel_loop3A_441 : vector<1x16xf32> to vector<16xf32>
        %parallel_loop3A_443 = arith.index_cast %parallel_loop3A_438 : i32 to index
        %parallel_loop3A_444 = arith.constant 0 : index
        %parallel_loop3A_445 = tpu.vector_load %arg20[%parallel_loop3A_443, %parallel_loop3A_444] {strides = array<i32>} : memref<128x16xf32, #tpu.memory_space<vmem>>, vector<1x16xf32>,
        %parallel_loop3A_446 = vector.shape_cast %parallel_loop3A_445 : vector<1x16xf32> to vector<16xf32>
        %parallel_loop3A_447 = arith.addf %parallel_loop3A_442, %parallel_loop3A_446 : vector<16xf32>
        %parallel_loop3A_448 = arith.constant 0.000000e+00 : f32
        %parallel_loop3A_449 = vector.broadcast %parallel_loop3A_448 : f32 to vector<16xf32>
        %parallel_loop3A_450 = arith.cmpf oge, %parallel_loop3A_447, %parallel_loop3A_449 : vector<16xf32>
        %parallel_loop3A_451 = arith.constant 2.000000e-01 : f32
        %parallel_loop3A_452 = vector.broadcast %parallel_loop3A_451 : f32 to vector<16xf32>
        %parallel_loop3A_453 = arith.mulf %parallel_loop3A_447, %parallel_loop3A_452 : vector<16xf32>
        %parallel_loop3A_454 = arith.select %parallel_loop3A_450, %parallel_loop3A_447, %parallel_loop3A_453 : vector<16xi1>, vector<16xf32>
        %parallel_loop3A_455 = math.exp %parallel_loop3A_454 : vector<16xf32>
        %parallel_loop3A_456 = arith.index_cast %parallel_loop3A_438 : i32 to index
        %parallel_loop3A_457 = arith.constant 0 : index
        %parallel_loop3A_458 = tpu.vector_load %arg22[%parallel_loop3A_456, %parallel_loop3A_457] {strides = array<i32>} : memref<128x16xf32, #tpu.memory_space<vmem>>, vector<1x16xf32>,
        %parallel_loop3A_459 = vector.shape_cast %parallel_loop3A_458 : vector<1x16xf32> to vector<16xf32>
        %parallel_loop3A_460 = vector.shape_cast %parallel_loop3A_455 : vector<16xf32> to vector<1x16xf32>
        tpu.vector_store %arg22[%parallel_loop3A_456, %parallel_loop3A_457], %parallel_loop3A_460 {strides = array<i32>} : memref<128x16xf32, #tpu.memory_space<vmem>>, vector<1x16xf32>,
        %parallel_loop3A_461 = arith.index_cast %parallel_loop3A_438 : i32 to index
        %parallel_loop3A_462 = arith.constant 0 : index
        %parallel_loop3A_463 = tpu.vector_load %arg21[%parallel_loop3A_461, %parallel_loop3A_462] {strides = array<i32>} : memref<128x64xf32, #tpu.memory_space<vmem>>, vector<1x16xf32>,
        %parallel_loop3A_464 = vector.shape_cast %parallel_loop3A_463 : vector<1x16xf32> to vector<16xf32>
        %parallel_loop3A_465 = vector.shape_cast %broadcast_in_dim3A_31 : vector<16xi32> to vector<16x1xi32>
        %parallel_loop3A_466 = vector.shape_cast %parallel_loop3A_465 : vector<16x1xi32> to vector<16xi32>
        %parallel_loop3A_467 = tpu.dynamic_gather %parallel_loop3A_455[%parallel_loop3A_466] in [0] : vector<16xf32>, vector<16xi32> -> vector<16xf32>
        %parallel_loop3A_468 = arith.mulf %parallel_loop3A_464, %parallel_loop3A_467 : vector<16xf32>
        %parallel_loop3A_469 = arith.index_cast %parallel_loop3A_438 : i32 to index
        %parallel_loop3A_470 = arith.constant 0 : index
        %parallel_loop3A_471 = tpu.vector_load %arg21[%parallel_loop3A_469, %parallel_loop3A_470] {strides = array<i32>} : memref<128x64xf32, #tpu.memory_space<vmem>>, vector<1x16xf32>,
        %parallel_loop3A_472 = vector.shape_cast %parallel_loop3A_471 : vector<1x16xf32> to vector<16xf32>
        %parallel_loop3A_473 = vector.shape_cast %parallel_loop3A_468 : vector<16xf32> to vector<1x16xf32>
        tpu.vector_store %arg21[%parallel_loop3A_469, %parallel_loop3A_470], %parallel_loop3A_473 {strides = array<i32>} : memref<128x64xf32, #tpu.memory_space<vmem>>, vector<1x16xf32>,
        %parallel_loop3A_474 = arith.index_cast %parallel_loop3A_438 : i32 to index
        %parallel_loop3A_475 = arith.constant 16 : index
        %parallel_loop3A_476 = tpu.vector_load %arg21[%parallel_loop3A_474, %parallel_loop3A_475] {strides = array<i32>} : memref<128x64xf32, #tpu.memory_space<vmem>>, vector<1x16xf32>,
        %parallel_loop3A_477 = vector.shape_cast %parallel_loop3A_476 : vector<1x16xf32> to vector<16xf32>
        %parallel_loop3A_478 = vector.shape_cast %broadcast_in_dim3A_36 : vector<16xi32> to vector<16x1xi32>
        %parallel_loop3A_479 = vector.shape_cast %parallel_loop3A_478 : vector<16x1xi32> to vector<16xi32>
        %parallel_loop3A_480 = tpu.dynamic_gather %parallel_loop3A_455[%parallel_loop3A_479] in [0] : vector<16xf32>, vector<16xi32> -> vector<16xf32>
        %parallel_loop3A_481 = arith.mulf %parallel_loop3A_477, %parallel_loop3A_480 : vector<16xf32>
        %parallel_loop3A_482 = arith.index_cast %parallel_loop3A_438 : i32 to index
        %parallel_loop3A_483 = arith.constant 16 : index
        %parallel_loop3A_484 = tpu.vector_load %arg21[%parallel_loop3A_482, %parallel_loop3A_483] {strides = array<i32>} : memref<128x64xf32, #tpu.memory_space<vmem>>, vector<1x16xf32>,
        %parallel_loop3A_485 = vector.shape_cast %parallel_loop3A_484 : vector<1x16xf32> to vector<16xf32>
        %parallel_loop3A_486 = vector.shape_cast %parallel_loop3A_481 : vector<16xf32> to vector<1x16xf32>
        tpu.vector_store %arg21[%parallel_loop3A_482, %parallel_loop3A_483], %parallel_loop3A_486 {strides = array<i32>} : memref<128x64xf32, #tpu.memory_space<vmem>>, vector<1x16xf32>,
        %parallel_loop3A_487 = arith.index_cast %parallel_loop3A_438 : i32 to index
        %parallel_loop3A_488 = arith.constant 32 : index
        %parallel_loop3A_489 = tpu.vector_load %arg21[%parallel_loop3A_487, %parallel_loop3A_488] {strides = array<i32>} : memref<128x64xf32, #tpu.memory_space<vmem>>, vector<1x16xf32>,
        %parallel_loop3A_490 = vector.shape_cast %parallel_loop3A_489 : vector<1x16xf32> to vector<16xf32>
        %parallel_loop3A_491 = vector.shape_cast %broadcast_in_dim3A_41 : vector<16xi32> to vector<16x1xi32>
        %parallel_loop3A_492 = vector.shape_cast %parallel_loop3A_491 : vector<16x1xi32> to vector<16xi32>
        %parallel_loop3A_493 = tpu.dynamic_gather %parallel_loop3A_455[%parallel_loop3A_492] in [0] : vector<16xf32>, vector<16xi32> -> vector<16xf32>
        %parallel_loop3A_494 = arith.mulf %parallel_loop3A_490, %parallel_loop3A_493 : vector<16xf32>
        %parallel_loop3A_495 = arith.index_cast %parallel_loop3A_438 : i32 to index
        %parallel_loop3A_496 = arith.constant 32 : index
        %parallel_loop3A_497 = tpu.vector_load %arg21[%parallel_loop3A_495, %parallel_loop3A_496] {strides = array<i32>} : memref<128x64xf32, #tpu.memory_space<vmem>>, vector<1x16xf32>,
        %parallel_loop3A_498 = vector.shape_cast %parallel_loop3A_497 : vector<1x16xf32> to vector<16xf32>
        %parallel_loop3A_499 = vector.shape_cast %parallel_loop3A_494 : vector<16xf32> to vector<1x16xf32>
        tpu.vector_store %arg21[%parallel_loop3A_495, %parallel_loop3A_496], %parallel_loop3A_499 {strides = array<i32>} : memref<128x64xf32, #tpu.memory_space<vmem>>, vector<1x16xf32>,
        %parallel_loop3A_500 = arith.index_cast %parallel_loop3A_438 : i32 to index
        %parallel_loop3A_501 = arith.constant 48 : index
        %parallel_loop3A_502 = tpu.vector_load %arg21[%parallel_loop3A_500, %parallel_loop3A_501] {strides = array<i32>} : memref<128x64xf32, #tpu.memory_space<vmem>>, vector<1x16xf32>,
        %parallel_loop3A_503 = vector.shape_cast %parallel_loop3A_502 : vector<1x16xf32> to vector<16xf32>
        %parallel_loop3A_504 = vector.shape_cast %broadcast_in_dim3A_46 : vector<16xi32> to vector<16x1xi32>
        %parallel_loop3A_505 = vector.shape_cast %parallel_loop3A_504 : vector<16x1xi32> to vector<16xi32>
        %parallel_loop3A_506 = tpu.dynamic_gather %parallel_loop3A_455[%parallel_loop3A_505] in [0] : vector<16xf32>, vector<16xi32> -> vector<16xf32>
        %parallel_loop3A_507 = arith.mulf %parallel_loop3A_503, %parallel_loop3A_506 : vector<16xf32>
        %parallel_loop3A_508 = arith.index_cast %parallel_loop3A_438 : i32 to index
        %parallel_loop3A_509 = arith.constant 48 : index
        %parallel_loop3A_510 = tpu.vector_load %arg21[%parallel_loop3A_508, %parallel_loop3A_509] {strides = array<i32>} : memref<128x64xf32, #tpu.memory_space<vmem>>, vector<1x16xf32>,
        %parallel_loop3A_511 = vector.shape_cast %parallel_loop3A_510 : vector<1x16xf32> to vector<16xf32>
        %parallel_loop3A_512 = vector.shape_cast %parallel_loop3A_507 : vector<16xf32> to vector<1x16xf32>
        tpu.vector_store %arg21[%parallel_loop3A_508, %parallel_loop3A_509], %parallel_loop3A_512 {strides = array<i32>} : memref<128x64xf32, #tpu.memory_space<vmem>>, vector<1x16xf32>,
      } {sc.loop_unroll_factor = 4 : i64, sc.parallel_access}
      %lt3A_419 = arith.cmpi slt, %add3A_311, %add3A_24 : i32
      %convert_element_type3A_420 = arith.extui %lt3A_419 : i1 to i32
      %cond3A_421 = arith.constant 0 : i32
      %cond3A_422 = arith.cmpi ne, %convert_element_type3A_420, %cond3A_421 : i32
      scf.if %cond3A_422 {
        "tpu.region"() ({
          %run_scoped3A = tpu.sem_alloc : memref<!tpu.dma_semaphore, #tpu.memory_space<semaphore_mem>>
          %dma_start3A_438 = arith.constant 0 : i32
          %dma_start3A_439 = arith.constant 0 : i32
          %dma_start3A_440 = tpu.memref_slice %arg26[%dma_start3A_438, %dma_start3A_439] : memref<10000x16xf32, #tpu.memory_space<vmem_shared>> -> memref<10000x16xf32, #tpu.memory_space<vmem_shared>>
          tpu.enqueue_indirect_dma source(%arg22 : memref<128x16xf32, #tpu.memory_space<vmem>>) target(%dma_start3A_440 : memref<10000x16xf32, #tpu.memory_space<vmem_shared>>) offsets(%arg17 : memref<128xi32, #tpu.memory_space<vmem>>) semaphore(%run_scoped3A : memref<!tpu.dma_semaphore, #tpu.memory_space<semaphore_mem>>) {add = true}
          %dma_wait3A_441 = arith.constant 0 : i32
          %dma_wait3A_442 = arith.constant 0 : i32
          %dma_wait3A_443 = tpu.memref_slice %arg26[%dma_wait3A_441, %dma_wait3A_442] : memref<10000x16xf32, #tpu.memory_space<vmem_shared>> -> memref<10000x16xf32, #tpu.memory_space<vmem_shared>>
          tpu.wait_indirect_dma semaphore(%run_scoped3A : memref<!tpu.dma_semaphore, #tpu.memory_space<semaphore_mem>>) src(%arg22 : memref<128x16xf32, #tpu.memory_space<vmem>>) dst(%dma_wait3A_443 : memref<10000x16xf32, #tpu.memory_space<vmem_shared>>)
          tpu.yield
        }) : () -> ()
        "tpu.region"() ({
          %run_scoped3A = tpu.sem_alloc : memref<!tpu.dma_semaphore, #tpu.memory_space<semaphore_mem>>
          %dma_start3A_438 = arith.constant 0 : i32
          %dma_start3A_439 = arith.constant 0 : i32
          %dma_start3A_440 = tpu.memref_slice %arg25[%dma_start3A_438, %dma_start3A_439] : memref<10000x64xf32, #tpu.memory_space<vmem_shared>> -> memref<10000x64xf32, #tpu.memory_space<vmem_shared>>
          tpu.enqueue_indirect_dma source(%arg21 : memref<128x64xf32, #tpu.memory_space<vmem>>) target(%dma_start3A_440 : memref<10000x64xf32, #tpu.memory_space<vmem_shared>>) offsets(%arg17 : memref<128xi32, #tpu.memory_space<vmem>>) semaphore(%run_scoped3A : memref<!tpu.dma_semaphore, #tpu.memory_space<semaphore_mem>>) {add = true}
          %dma_wait3A_441 = arith.constant 0 : i32
          %dma_wait3A_442 = arith.constant 0 : i32
          %dma_wait3A_443 = tpu.memref_slice %arg25[%dma_wait3A_441, %dma_wait3A_442] : memref<10000x64xf32, #tpu.memory_space<vmem_shared>> -> memref<10000x64xf32, #tpu.memory_space<vmem_shared>>
          tpu.wait_indirect_dma semaphore(%run_scoped3A : memref<!tpu.dma_semaphore, #tpu.memory_space<semaphore_mem>>) src(%arg21 : memref<128x64xf32, #tpu.memory_space<vmem>>) dst(%dma_wait3A_443 : memref<10000x64xf32, #tpu.memory_space<vmem_shared>>)
          tpu.yield
        }) : () -> ()
      } else {
      }
      %add3A_423 = arith.constant 2 : i32
      %add3A_424 = arith.addi %add3A_311, %add3A_423 : i32
      %sub3A_425 = arith.constant 1 : i32
      %sub3A_426 = arith.subi %add3A_24, %sub3A_425 : i32
      %min3A_427 = arith.minsi %add3A_424, %sub3A_426 : i32
      %mul3A_428 = arith.constant 16 : i32
      %mul3A_429 = arith.muli %min3A_427, %mul3A_428 : i32
      %add3A_430 = arith.addi %arg1, %mul3A_429 : i32
      %mul3A_431 = arith.constant 128 : i32
      %mul3A_432 = arith.muli %add3A_430, %mul3A_431 : i32
      %dma_start3A_433 = tpu.memref_slice %arg5[%mul3A_432] : memref<320000xi32, #tpu.memory_space<hbm>> -> memref<128xi32, #tpu.memory_space<hbm>>
      %dma_start3A_434 = tpu.memref_slice %arg5[%mul3A_432] : memref<320000xi32, #tpu.memory_space<hbm>> -> memref<128xi32, #tpu.memory_space<hbm>>
      tpu.enqueue_dma source(%dma_start3A_434 : memref<128xi32, #tpu.memory_space<hbm>>) target(%arg16 : memref<128xi32, #tpu.memory_space<vmem>>) target_semaphore(%arg32 : memref<!tpu.dma_semaphore, #tpu.memory_space<semaphore_mem>>)
      %dma_start3A_435 = tpu.memref_slice %arg6[%mul3A_432] : memref<320000xi32, #tpu.memory_space<hbm>> -> memref<128xi32, #tpu.memory_space<hbm>>
      %dma_start3A_436 = tpu.memref_slice %arg6[%mul3A_432] : memref<320000xi32, #tpu.memory_space<hbm>> -> memref<128xi32, #tpu.memory_space<hbm>>
      tpu.enqueue_dma source(%dma_start3A_436 : memref<128xi32, #tpu.memory_space<hbm>>) target(%arg17 : memref<128xi32, #tpu.memory_space<vmem>>) target_semaphore(%arg33 : memref<!tpu.dma_semaphore, #tpu.memory_space<semaphore_mem>>)
      %scan3A_437 = arith.constant 0 : i32
      scf.yield %scan3A_437 : i32
    }
    %scan3A_166 = arith.constant 79 : i32
    %barrier3A_167 = arith.constant 0 : index
    tpu.barrier barrier_id(%barrier3A_167)
    %mul3A_168 = arith.constant 64 : i32
    %mul3A_169 = arith.muli %arg0, %mul3A_168 : i32
    %mul3A_170 = arith.constant 16 : i32
    %mul3A_171 = arith.muli %arg0, %mul3A_170 : i32
    "tpu.region"() ({
      %run_scoped3A = tpu.sem_alloc : memref<!tpu.dma_semaphore, #tpu.memory_space<semaphore_mem>>
      %dma_start3A_177 = tpu.memref_slice %arg7[%mul3A_3, %mul3A_169] : memref<10000x128xf32, #tpu.memory_space<hbm>> -> memref<624x64xf32, #tpu.memory_space<hbm>>
      %dma_start3A_178 = arith.constant 0 : i32
      %dma_start3A_179 = tpu.memref_slice %arg25[%mul3A_3, %dma_start3A_178] : memref<10000x64xf32, #tpu.memory_space<vmem_shared>> -> memref<624x64xf32, #tpu.memory_space<vmem_shared>>
      tpu.enqueue_dma source(%dma_start3A_179 : memref<624x64xf32, #tpu.memory_space<vmem_shared>>) target(%dma_start3A_177 : memref<624x64xf32, #tpu.memory_space<hbm>>) target_semaphore(%run_scoped3A : memref<!tpu.dma_semaphore, #tpu.memory_space<semaphore_mem>>)
      %dma_wait3A_180 = tpu.memref_slice %arg7[%mul3A_3, %mul3A_169] : memref<10000x128xf32, #tpu.memory_space<hbm>> -> memref<624x64xf32, #tpu.memory_space<hbm>>
      %dma_wait3A_181 = arith.constant 0 : i32
      %dma_wait3A_182 = tpu.memref_slice %arg25[%mul3A_3, %dma_wait3A_181] : memref<10000x64xf32, #tpu.memory_space<vmem_shared>> -> memref<624x64xf32, #tpu.memory_space<vmem_shared>>
      tpu.wait_dma2 semaphore(%run_scoped3A : memref<!tpu.dma_semaphore, #tpu.memory_space<semaphore_mem>>) src(%dma_wait3A_182 : memref<624x64xf32, #tpu.memory_space<vmem_shared>>) dst(%dma_wait3A_180 : memref<624x64xf32, #tpu.memory_space<hbm>>)
      tpu.yield
    }) : () -> ()
    "tpu.region"() ({
      %run_scoped3A = tpu.sem_alloc : memref<!tpu.dma_semaphore, #tpu.memory_space<semaphore_mem>>
      %dma_start3A_177 = tpu.memref_slice %arg8[%mul3A_3, %mul3A_171] : memref<10000x32xf32, #tpu.memory_space<hbm>> -> memref<624x16xf32, #tpu.memory_space<hbm>>
      %dma_start3A_178 = arith.constant 0 : i32
      %dma_start3A_179 = tpu.memref_slice %arg26[%mul3A_3, %dma_start3A_178] : memref<10000x16xf32, #tpu.memory_space<vmem_shared>> -> memref<624x16xf32, #tpu.memory_space<vmem_shared>>
      tpu.enqueue_dma source(%dma_start3A_179 : memref<624x16xf32, #tpu.memory_space<vmem_shared>>) target(%dma_start3A_177 : memref<624x16xf32, #tpu.memory_space<hbm>>) target_semaphore(%run_scoped3A : memref<!tpu.dma_semaphore, #tpu.memory_space<semaphore_mem>>)
      %dma_wait3A_180 = tpu.memref_slice %arg8[%mul3A_3, %mul3A_171] : memref<10000x32xf32, #tpu.memory_space<hbm>> -> memref<624x16xf32, #tpu.memory_space<hbm>>
      %dma_wait3A_181 = arith.constant 0 : i32
      %dma_wait3A_182 = tpu.memref_slice %arg26[%mul3A_3, %dma_wait3A_181] : memref<10000x16xf32, #tpu.memory_space<vmem_shared>> -> memref<624x16xf32, #tpu.memory_space<vmem_shared>>
      tpu.wait_dma2 semaphore(%run_scoped3A : memref<!tpu.dma_semaphore, #tpu.memory_space<semaphore_mem>>) src(%dma_wait3A_182 : memref<624x16xf32, #tpu.memory_space<vmem_shared>>) dst(%dma_wait3A_180 : memref<624x16xf32, #tpu.memory_space<hbm>>)
      tpu.yield
    }) : () -> ()
    %eq3A_172 = arith.constant 0 : i32
    %eq3A_173 = arith.cmpi eq, %arg1, %eq3A_172 : i32
    %convert_element_type3A_174 = arith.extui %eq3A_173 : i1 to i32
    %cond3A_175 = arith.constant 0 : i32
    %cond3A_176 = arith.cmpi ne, %convert_element_type3A_174, %cond3A_175 : i32
    scf.if %cond3A_176 {
      "tpu.region"() ({
        %run_scoped3A = tpu.sem_alloc : memref<!tpu.dma_semaphore, #tpu.memory_space<semaphore_mem>>
        %dma_start3A_177 = arith.constant 9984 : i32
        %dma_start3A_178 = tpu.memref_slice %arg7[%dma_start3A_177, %mul3A_169] : memref<10000x128xf32, #tpu.memory_space<hbm>> -> memref<16x64xf32, #tpu.memory_space<hbm>>
        %dma_start3A_179 = arith.constant 9984 : i32
        %dma_start3A_180 = arith.constant 0 : i32
        %dma_start3A_181 = tpu.memref_slice %arg25[%dma_start3A_179, %dma_start3A_180] : memref<10000x64xf32, #tpu.memory_space<vmem_shared>> -> memref<16x64xf32, #tpu.memory_space<vmem_shared>>
        tpu.enqueue_dma source(%dma_start3A_181 : memref<16x64xf32, #tpu.memory_space<vmem_shared>>) target(%dma_start3A_178 : memref<16x64xf32, #tpu.memory_space<hbm>>) target_semaphore(%run_scoped3A : memref<!tpu.dma_semaphore, #tpu.memory_space<semaphore_mem>>)
        %dma_wait3A_182 = arith.constant 9984 : i32
        %dma_wait3A_183 = tpu.memref_slice %arg7[%dma_wait3A_182, %mul3A_169] : memref<10000x128xf32, #tpu.memory_space<hbm>> -> memref<16x64xf32, #tpu.memory_space<hbm>>
        %dma_wait3A_184 = arith.constant 9984 : i32
        %dma_wait3A_185 = arith.constant 0 : i32
        %dma_wait3A_186 = tpu.memref_slice %arg25[%dma_wait3A_184, %dma_wait3A_185] : memref<10000x64xf32, #tpu.memory_space<vmem_shared>> -> memref<16x64xf32, #tpu.memory_space<vmem_shared>>
        tpu.wait_dma2 semaphore(%run_scoped3A : memref<!tpu.dma_semaphore, #tpu.memory_space<semaphore_mem>>) src(%dma_wait3A_186 : memref<16x64xf32, #tpu.memory_space<vmem_shared>>) dst(%dma_wait3A_183 : memref<16x64xf32, #tpu.memory_space<hbm>>)
        tpu.yield
      }) : () -> ()
      "tpu.region"() ({
        %run_scoped3A = tpu.sem_alloc : memref<!tpu.dma_semaphore, #tpu.memory_space<semaphore_mem>>
        %dma_start3A_177 = arith.constant 9984 : i32
        %dma_start3A_178 = tpu.memref_slice %arg8[%dma_start3A_177, %mul3A_171] : memref<10000x32xf32, #tpu.memory_space<hbm>> -> memref<16x16xf32, #tpu.memory_space<hbm>>
        %dma_start3A_179 = arith.constant 9984 : i32
        %dma_start3A_180 = arith.constant 0 : i32
        %dma_start3A_181 = tpu.memref_slice %arg26[%dma_start3A_179, %dma_start3A_180] : memref<10000x16xf32, #tpu.memory_space<vmem_shared>> -> memref<16x16xf32, #tpu.memory_space<vmem_shared>>
        tpu.enqueue_dma source(%dma_start3A_181 : memref<16x16xf32, #tpu.memory_space<vmem_shared>>) target(%dma_start3A_178 : memref<16x16xf32, #tpu.memory_space<hbm>>) target_semaphore(%run_scoped3A : memref<!tpu.dma_semaphore, #tpu.memory_space<semaphore_mem>>)
        %dma_wait3A_182 = arith.constant 9984 : i32
        %dma_wait3A_183 = tpu.memref_slice %arg8[%dma_wait3A_182, %mul3A_171] : memref<10000x32xf32, #tpu.memory_space<hbm>> -> memref<16x16xf32, #tpu.memory_space<hbm>>
        %dma_wait3A_184 = arith.constant 9984 : i32
        %dma_wait3A_185 = arith.constant 0 : i32
        %dma_wait3A_186 = tpu.memref_slice %arg26[%dma_wait3A_184, %dma_wait3A_185] : memref<10000x16xf32, #tpu.memory_space<vmem_shared>> -> memref<16x16xf32, #tpu.memory_space<vmem_shared>>
        tpu.wait_dma2 semaphore(%run_scoped3A : memref<!tpu.dma_semaphore, #tpu.memory_space<semaphore_mem>>) src(%dma_wait3A_186 : memref<16x16xf32, #tpu.memory_space<vmem_shared>>) dst(%dma_wait3A_183 : memref<16x16xf32, #tpu.memory_space<hbm>>)
        tpu.yield
      }) : () -> ()
    } else {
    }
    return
  }
}

module attributes {stable_mosaic.version = 14 : i64} {
  func.func @_prep_body(%arg0: i32, %arg1: memref<1000x128xf32, #tpu.memory_space<vmem>>, %arg2: memref<128x128xf32, #tpu.memory_space<vmem>>, %arg3: memref<128x16xf32, #tpu.memory_space<vmem>>, %arg4: memref<128x16xf32, #tpu.memory_space<vmem>>, %arg5: memref<2x1000x64xf32, #tpu.memory_space<vmem>>, %arg6: memref<1000x16xf32, #tpu.memory_space<vmem>>, %arg7: memref<1000x16xf32, #tpu.memory_space<vmem>>) attributes {dimension_semantics = [#tpu.dimension_semantics<arbitrary>], iteration_bounds = array<i64: 10>, scalar_prefetch = 0 : i64, scratch_operands = 0 : i64, tpu.core_type = #tpu.core_type<tc>, window_params = [{transform_indices = @transform_0, window_bounds = array<i64: 1000, 128>}, {pipeline_mode = #tpu.pipeline_mode<synchronous>, transform_indices = @transform_1, window_bounds = array<i64: 128, 128>}, {pipeline_mode = #tpu.pipeline_mode<synchronous>, transform_indices = @transform_2, window_bounds = array<i64: 128, 16>}, {pipeline_mode = #tpu.pipeline_mode<synchronous>, transform_indices = @transform_3, window_bounds = array<i64: 128, 16>}, {transform_indices = @transform_4, window_bounds = array<i64: 2, 1000, 64>}, {transform_indices = @transform_5, window_bounds = array<i64: 1000, 16>}, {transform_indices = @transform_6, window_bounds = array<i64: 1000, 16>}]} {
    %get3A = arith.constant 0 : index
    %get3A_0 = arith.constant 0 : index
    %get3A_1 = vector.load %arg1[%get3A, %get3A_0] : memref<1000x128xf32, #tpu.memory_space<vmem>>, vector<1000x128xf32>
    %get3A_2 = arith.constant 0 : index
    %get3A_3 = arith.constant 0 : index
    %get3A_4 = vector.load %arg2[%get3A_2, %get3A_3] : memref<128x128xf32, #tpu.memory_space<vmem>>, vector<128x128xf32>
    %dot_general3A = arith.constant dense<0.000000e+00> : vector<1000x128xf32>
    %dot_general3A_5 = tpu.matmul %get3A_1, %get3A_4, %dot_general3A {dimension_numbers = #tpu.dot_dimension_numbers<[1], [0], [0], [1], [0, 0, 1, 1], [], []>, transpose_lhs_hint = false} : vector<1000x128xf32>, vector<128x128xf32>, vector<1000x128xf32> -> vector<1000x128xf32>
    %slice3A = vector.extract_strided_slice %dot_general3A_5 {offsets = [0, 0], sizes = [1000, 64], strides = [1, 1]} : vector<1000x128xf32> to vector<1000x64xf32>
    %slice3A_6 = vector.extract_strided_slice %dot_general3A_5 {offsets = [0, 64], sizes = [1000, 64], strides = [1, 1]} : vector<1000x128xf32> to vector<1000x64xf32>
    %stack3A = vector.shape_cast %slice3A : vector<1000x64xf32> to vector<1x1000x64xf32>
    %stack3A_7 = vector.shape_cast %slice3A_6 : vector<1000x64xf32> to vector<1x1000x64xf32>
    %stack3A_8 = tpu.concatenate %stack3A, %stack3A_7 in 0 : vector<1x1000x64xf32>, vector<1x1000x64xf32> -> vector<2x1000x64xf32>
    %swap3A = arith.constant 0 : index
    %swap3A_9 = arith.constant 0 : index
    %swap3A_10 = arith.constant 0 : index
    %swap3A_11 = vector.load %arg5[%swap3A, %swap3A_9, %swap3A_10] : memref<2x1000x64xf32, #tpu.memory_space<vmem>>, vector<2x1000x64xf32>
    tpu.vector_store %arg5[%swap3A, %swap3A_9, %swap3A_10], %stack3A_8 {strides = array<i32>} : memref<2x1000x64xf32, #tpu.memory_space<vmem>>, vector<2x1000x64xf32>,
    %get3A_12 = arith.constant 0 : index
    %get3A_13 = arith.constant 0 : index
    %get3A_14 = vector.load %arg3[%get3A_12, %get3A_13] : memref<128x16xf32, #tpu.memory_space<vmem>>, vector<128x16xf32>
    %dot_general3A_15 = arith.constant dense<0.000000e+00> : vector<1000x16xf32>
    %dot_general3A_16 = tpu.matmul %dot_general3A_5, %get3A_14, %dot_general3A_15 {dimension_numbers = #tpu.dot_dimension_numbers<[1], [0], [0], [1], [0, 0, 1, 1], [], []>, transpose_lhs_hint = false} : vector<1000x128xf32>, vector<128x16xf32>, vector<1000x16xf32> -> vector<1000x16xf32>
    %swap3A_17 = arith.constant 0 : index
    %swap3A_18 = arith.constant 0 : index
    %swap3A_19 = vector.load %arg6[%swap3A_17, %swap3A_18] : memref<1000x16xf32, #tpu.memory_space<vmem>>, vector<1000x16xf32>
    tpu.vector_store %arg6[%swap3A_17, %swap3A_18], %dot_general3A_16 {strides = array<i32>} : memref<1000x16xf32, #tpu.memory_space<vmem>>, vector<1000x16xf32>,
    %get3A_20 = arith.constant 0 : index
    %get3A_21 = arith.constant 0 : index
    %get3A_22 = vector.load %arg4[%get3A_20, %get3A_21] : memref<128x16xf32, #tpu.memory_space<vmem>>, vector<128x16xf32>
    %dot_general3A_23 = arith.constant dense<0.000000e+00> : vector<1000x16xf32>
    %dot_general3A_24 = tpu.matmul %dot_general3A_5, %get3A_22, %dot_general3A_23 {dimension_numbers = #tpu.dot_dimension_numbers<[1], [0], [0], [1], [0, 0, 1, 1], [], []>, transpose_lhs_hint = false} : vector<1000x128xf32>, vector<128x16xf32>, vector<1000x16xf32> -> vector<1000x16xf32>
    %swap3A_25 = arith.constant 0 : index
    %swap3A_26 = arith.constant 0 : index
    %swap3A_27 = vector.load %arg7[%swap3A_25, %swap3A_26] : memref<1000x16xf32, #tpu.memory_space<vmem>>, vector<1000x16xf32>
    tpu.vector_store %arg7[%swap3A_25, %swap3A_26], %dot_general3A_24 {strides = array<i32>} : memref<1000x16xf32, #tpu.memory_space<vmem>>, vector<1000x16xf32>,
    return
  }
  func.func @transform_0(%arg0: i32) -> (i32, i32) {
    %c0_i32 = arith.constant 0 : i32
    %c0_i32_0 = arith.constant 0 : i32
    return %arg0, %c0_i32 : i32, i32
  }
  func.func @transform_1(%arg0: i32) -> (i32, i32) {
    %c0_i32 = arith.constant 0 : i32
    %c0_i32_0 = arith.constant 0 : i32
    %c0_i32_1 = arith.constant 0 : i32
    return %c0_i32, %c0_i32_0 : i32, i32
  }
  func.func @transform_2(%arg0: i32) -> (i32, i32) {
    %c0_i32 = arith.constant 0 : i32
    %c0_i32_0 = arith.constant 0 : i32
    %c0_i32_1 = arith.constant 0 : i32
    return %c0_i32, %c0_i32_0 : i32, i32
  }
  func.func @transform_3(%arg0: i32) -> (i32, i32) {
    %c0_i32 = arith.constant 0 : i32
    %c0_i32_0 = arith.constant 0 : i32
    %c0_i32_1 = arith.constant 0 : i32
    return %c0_i32, %c0_i32_0 : i32, i32
  }
  func.func @transform_4(%arg0: i32) -> (i32, i32, i32) {
    %c0_i32 = arith.constant 0 : i32
    %c0_i32_0 = arith.constant 0 : i32
    %c0_i32_1 = arith.constant 0 : i32
    return %c0_i32, %arg0, %c0_i32_0 : i32, i32, i32
  }
  func.func @transform_5(%arg0: i32) -> (i32, i32) {
    %c0_i32 = arith.constant 0 : i32
    %c0_i32_0 = arith.constant 0 : i32
    return %arg0, %c0_i32 : i32, i32
  }
  func.func @transform_6(%arg0: i32) -> (i32, i32) {
    %c0_i32 = arith.constant 0 : i32
    %c0_i32_0 = arith.constant 0 : i32
    return %arg0, %c0_i32 : i32, i32
  }
}

module attributes {stable_mosaic.version = 14 : i64} {
  func.func @_final_body(%arg0: i32, %arg1: memref<1000x128xf32, #tpu.memory_space<vmem>>, %arg2: memref<1000x64xf32, #tpu.memory_space<vmem>>, %arg3: memref<1000x64xf32, #tpu.memory_space<vmem>>, %arg4: memref<1000x32xf32, #tpu.memory_space<vmem>>, %arg5: memref<1000x16xf32, #tpu.memory_space<vmem>>, %arg6: memref<1000x16xf32, #tpu.memory_space<vmem>>, %arg7: memref<1x128xf32, #tpu.memory_space<vmem>>, %arg8: memref<16x128xf32, #tpu.memory_space<vmem>>, %arg9: memref<1000x128xf32, #tpu.memory_space<vmem>>) attributes {dimension_semantics = [#tpu.dimension_semantics<arbitrary>], iteration_bounds = array<i64: 10>, scalar_prefetch = 0 : i64, scratch_operands = 0 : i64, tpu.core_type = #tpu.core_type<tc>, window_params = [{transform_indices = @transform_0, window_bounds = array<i64: 1000, 128>}, {transform_indices = @transform_1, window_bounds = array<i64: 1000, 64>}, {transform_indices = @transform_2, window_bounds = array<i64: 1000, 64>}, {transform_indices = @transform_3, window_bounds = array<i64: 1000, 32>}, {transform_indices = @transform_4, window_bounds = array<i64: 1000, 16>}, {transform_indices = @transform_5, window_bounds = array<i64: 1000, 16>}, {pipeline_mode = #tpu.pipeline_mode<synchronous>, transform_indices = @transform_6, window_bounds = array<i64: 1, 128>}, {pipeline_mode = #tpu.pipeline_mode<synchronous>, transform_indices = @transform_7, window_bounds = array<i64: 16, 128>}, {transform_indices = @transform_8, window_bounds = array<i64: 1000, 128>}]} {
    %get3A = arith.constant 0 : index
    %get3A_0 = arith.constant 0 : index
    %get3A_1 = vector.load %arg5[%get3A, %get3A_0] : memref<1000x16xf32, #tpu.memory_space<vmem>>, vector<1000x16xf32>
    %get3A_2 = arith.constant 0 : index
    %get3A_3 = arith.constant 0 : index
    %get3A_4 = vector.load %arg6[%get3A_2, %get3A_3] : memref<1000x16xf32, #tpu.memory_space<vmem>>, vector<1000x16xf32>
    %add3A = arith.addf %get3A_1, %get3A_4 : vector<1000x16xf32>
    %ge3A = arith.constant 0.000000e+00 : f32
    %ge3A_5 = vector.broadcast %ge3A : f32 to vector<1000x16xf32>
    %ge3A_6 = arith.cmpf oge, %add3A, %ge3A_5 : vector<1000x16xf32>
    %mul3A = arith.constant 2.000000e-01 : f32
    %mul3A_7 = vector.broadcast %mul3A : f32 to vector<1000x16xf32>
    %mul3A_8 = arith.mulf %add3A, %mul3A_7 : vector<1000x16xf32>
    %select_n3A = arith.select %ge3A_6, %add3A, %mul3A_8 : vector<1000x16xi1>, vector<1000x16xf32>
    %exp3A = math.exp %select_n3A : vector<1000x16xf32>
    %get3A_9 = arith.constant 0 : index
    %get3A_10 = arith.constant 0 : index
    %get3A_11 = vector.load %arg4[%get3A_9, %get3A_10] : memref<1000x32xf32, #tpu.memory_space<vmem>>, vector<1000x32xf32>
    %slice3A = vector.extract_strided_slice %get3A_11 {offsets = [0, 0], sizes = [1000, 16], strides = [1, 1]} : vector<1000x32xf32> to vector<1000x16xf32>
    %add3A_12 = arith.addf %slice3A, %exp3A : vector<1000x16xf32>
    %get3A_13 = arith.constant 0 : index
    %get3A_14 = arith.constant 0 : index
    %get3A_15 = vector.load %arg2[%get3A_13, %get3A_14] : memref<1000x64xf32, #tpu.memory_space<vmem>>, vector<1000x64xf32>
    %get3A_16 = arith.constant 0 : index
    %get3A_17 = arith.constant 0 : index
    %get3A_18 = vector.load %arg3[%get3A_16, %get3A_17] : memref<1000x64xf32, #tpu.memory_space<vmem>>, vector<1000x64xf32>
    %concatenate3A = tpu.concatenate %get3A_15, %get3A_18 in 1 : vector<1000x64xf32>, vector<1000x64xf32> -> vector<1000x128xf32>
    %get3A_19 = arith.constant 0 : index
    %get3A_20 = arith.constant 0 : index
    %get3A_21 = vector.load %arg1[%get3A_19, %get3A_20] : memref<1000x128xf32, #tpu.memory_space<vmem>>, vector<1000x128xf32>
    %get3A_22 = arith.constant 0 : index
    %get3A_23 = arith.constant 0 : index
    %get3A_24 = vector.load %arg8[%get3A_22, %get3A_23] : memref<16x128xf32, #tpu.memory_space<vmem>>, vector<16x128xf32>
    %dot_general3A = arith.constant dense<0.000000e+00> : vector<1000x128xf32>
    %dot_general3A_25 = tpu.matmul %exp3A, %get3A_24, %dot_general3A {dimension_numbers = #tpu.dot_dimension_numbers<[1], [0], [0], [1], [0, 0, 1, 1], [], []>, transpose_lhs_hint = false} : vector<1000x16xf32>, vector<16x128xf32>, vector<1000x128xf32> -> vector<1000x128xf32>
    %dot_general3A_26 = arith.constant dense<0.000000e+00> : vector<1000x128xf32>
    %dot_general3A_27 = tpu.matmul %add3A_12, %get3A_24, %dot_general3A_26 {dimension_numbers = #tpu.dot_dimension_numbers<[1], [0], [0], [1], [0, 0, 1, 1], [], []>, transpose_lhs_hint = false} : vector<1000x16xf32>, vector<16x128xf32>, vector<1000x128xf32> -> vector<1000x128xf32>
    %mul3A_28 = arith.mulf %concatenate3A, %dot_general3A_25 : vector<1000x128xf32>
    %add3A_29 = arith.addf %get3A_21, %mul3A_28 : vector<1000x128xf32>
    %div3A = arith.divf %add3A_29, %dot_general3A_27 : vector<1000x128xf32>
    %get3A_30 = arith.constant 0 : index
    %get3A_31 = arith.constant 0 : index
    %get3A_32 = vector.load %arg7[%get3A_30, %get3A_31] : memref<1x128xf32, #tpu.memory_space<vmem>>, vector<1x128xf32>
    %add3A_33 = vector.broadcast %get3A_32 : vector<1x128xf32> to vector<1000x128xf32>
    %add3A_34 = arith.addf %div3A, %add3A_33 : vector<1000x128xf32>
    %max3A = arith.constant 0.000000e+00 : f32
    %max3A_35 = vector.broadcast %max3A : f32 to vector<1000x128xf32>
    %max3A_36 = arith.maximumf %add3A_34, %max3A_35 : vector<1000x128xf32>
    %reduce_max3A = arith.constant dense<0xFF800000> : vector<1000xf32>
    %reduce_max3A_37 = vector.multi_reduction <maximumf>, %max3A_36, %reduce_max3A [1] : vector<1000x128xf32> to vector<1000xf32>
    %broadcast_in_dim3A = vector.shape_cast %reduce_max3A_37 : vector<1000xf32> to vector<1000x1xf32>
    %sub3A = vector.broadcast %broadcast_in_dim3A : vector<1000x1xf32> to vector<1000x128xf32>
    %sub3A_38 = arith.subf %max3A_36, %sub3A : vector<1000x128xf32>
    %exp3A_39 = math.exp %sub3A_38 : vector<1000x128xf32>
    %reduce_sum3A = arith.constant dense<0.000000e+00> : vector<1000xf32>
    %reduce_sum3A_40 = vector.multi_reduction <add>, %exp3A_39, %reduce_sum3A [1] : vector<1000x128xf32> to vector<1000xf32>
    %broadcast_in_dim3A_41 = vector.shape_cast %reduce_sum3A_40 : vector<1000xf32> to vector<1000x1xf32>
    %log3A = math.log %broadcast_in_dim3A_41 : vector<1000x1xf32>
    %sub3A_42 = vector.broadcast %log3A : vector<1000x1xf32> to vector<1000x128xf32>
    %sub3A_43 = arith.subf %sub3A_38, %sub3A_42 : vector<1000x128xf32>
    %swap3A = arith.constant 0 : index
    %swap3A_44 = arith.constant 0 : index
    %swap3A_45 = vector.load %arg9[%swap3A, %swap3A_44] : memref<1000x128xf32, #tpu.memory_space<vmem>>, vector<1000x128xf32>
    tpu.vector_store %arg9[%swap3A, %swap3A_44], %sub3A_43 {strides = array<i32>} : memref<1000x128xf32, #tpu.memory_space<vmem>>, vector<1000x128xf32>,
    return
  }
  func.func @transform_0(%arg0: i32) -> (i32, i32) {
    %c0_i32 = arith.constant 0 : i32
    %c0_i32_0 = arith.constant 0 : i32
    return %arg0, %c0_i32 : i32, i32
  }
  func.func @transform_1(%arg0: i32) -> (i32, i32) {
    %c0_i32 = arith.constant 0 : i32
    %c0_i32_0 = arith.constant 0 : i32
    return %arg0, %c0_i32 : i32, i32
  }
  func.func @transform_2(%arg0: i32) -> (i32, i32) {
    %c0_i32 = arith.constant 0 : i32
    %c0_i32_0 = arith.constant 0 : i32
    return %arg0, %c0_i32 : i32, i32
  }
  func.func @transform_3(%arg0: i32) -> (i32, i32) {
    %c0_i32 = arith.constant 0 : i32
    %c0_i32_0 = arith.constant 0 : i32
    return %arg0, %c0_i32 : i32, i32
  }
  func.func @transform_4(%arg0: i32) -> (i32, i32) {
    %c0_i32 = arith.constant 0 : i32
    %c0_i32_0 = arith.constant 0 : i32
    return %arg0, %c0_i32 : i32, i32
  }
  func.func @transform_5(%arg0: i32) -> (i32, i32) {
    %c0_i32 = arith.constant 0 : i32
    %c0_i32_0 = arith.constant 0 : i32
    return %arg0, %c0_i32 : i32, i32
  }
  func.func @transform_6(%arg0: i32) -> (i32, i32) {
    %c0_i32 = arith.constant 0 : i32
    %c0_i32_0 = arith.constant 0 : i32
    %c0_i32_1 = arith.constant 0 : i32
    return %c0_i32, %c0_i32_0 : i32, i32
  }
  func.func @transform_7(%arg0: i32) -> (i32, i32) {
    %c0_i32 = arith.constant 0 : i32
    %c0_i32_0 = arith.constant 0 : i32
    %c0_i32_1 = arith.constant 0 : i32
    return %c0_i32, %c0_i32_0 : i32, i32
  }
  func.func @transform_8(%arg0: i32) -> (i32, i32) {
    %c0_i32 = arith.constant 0 : i32
    %c0_i32_0 = arith.constant 0 : i32
    return %arg0, %c0_i32 : i32, i32
  }
}

</mosaic_0001>

<sc_bundles>
// kernel: kernel.5.cloned.1.call-start
scs
__scs_entry_jumppad:
0x0: {  	(pc) =	sbr.rel $0x88, $3  }
0x1: {  	(tag) =	ssettag $0x0;
	lr =	simm.s32 $0x1  }
0x2: {  	[smem:$0x3F9B] =	sst lr;
	_ =	strace $0xD0000000  }
0x3: {  	_ = 	snop  }
0x4: {  	_ = 	snop  }
0x5: {  	_ = 	snop  }
0x6: {  	_ = 	snop  }
0x7: {  	_ = 	snop  }
__scs_overlays_trampoline_lowered:
0x8: {  	[smem:$0x3FAA] =	sst s0  }
0x9: {  	[smem:$0x3FAB] =	sst s1  }
0xa: {  	[smem:$0x3FAC] =	sst s2  }
0xb: {  	[smem:$0x3FAD] =	sst s3  }
0xc: {  	[smem:$0x3FAE] =	sst s4  }
0xd: {  	[smem:$0x3FAF] =	sst s5  }
0xe: {  	[smem:$0x3FB0] =	sst s6  }
0xf: {  	[smem:$0x3FB1] =	sst s7  }
0x10: {  	[smem:$0x3FB2] =	sst s8  }
0x11: {  	[smem:$0x3FB3] =	sst s9;
	s0 =	simm.s32 @!p0 $0x0  }
0x12: {  	s1 =	sld [smem:$0x3F99];
	s0 =	simm.s32 @p0 $0x1  }
0x13: {  	[smem:$0x3FB4] =	sst s0;
	s0 =	simm.s32 @!p1 $0x0  }
0x14: {  	s2 =	sld [smem:$0x3F98];
	s0 =	simm.s32 @p1 $0x1  }
0x15: {  	[smem:$0x3FB5] =	sst s0;
	s0 =	simm.s32 @!p2 $0x0  }
0x16: {  	s3 =	sld [smem:$0x3FDB];
	s0 =	simm.s32 @p2 $0x1  }
0x17: {  	s4 =	simm.s32 $0x1BF5;
	[smem:$0x3FB7] =	sst s0  }
0x18: {  	s0 =	sld [smem:$0x3F9A];
	_ =	swait.ge [sflag:s4], $0x0  }
0x19: {  	s7 =	sld [smem:$0x3F9B]  }
0x1a: {  	s8 =	sadd.s32 $0xFFFFE003, lr  }
0x1b: {  	s9 =	sadd.s32 $0xFFFFFEF7, lr;
	s5 =	simm.s32 $0xFFFFFFFF;
	p2 =	slt.u32 s8, $0xFFFFF086  }
0x1c: {  	p1 =	slt.u32 s9, $0xF7A;
	s5 =	simm.s32 @!p2 $0x0  }
0x1d: {  	s5 =	simm.s32 @p1 $0x1;
	p0 =	seq.s32 s7, s2  }
0x1e: {  	s7 =	smul.u32 @!p0 $0xF7A, s2;
	p2 =	seq.s32 @!p0 s5, $0x0  }
0x1f: {  	s9 =	smul.u32 $0xF7A, s1;
	s8 =	simm.s32 @!p0 $0x1BF5;
	p2 =	por !p2, p0  }
0x20: {  	[sflag:s8] =	ssyncset.s32 @!p0 $0xFFFFF086;
	s6 =	sadd.s32 @!p0 s3, s7;
	s7 =	simm.s32 @!p0 $0x108  }
0x21: {  	s3 =	sadd.s32 s3, s9;
	s6 =	sadd.s32 @!p0 $0x88, s6;
	s7 =	simm.s32 @p2 $0x1082  }
0x22: {  	[simem:s7], [sflag:s8] =	dma.local @!p0 [hbm:s6], $0xF7A  }
0x23: {  	s9 =	sor.u32 $0xD0000000, s2;
	s6 =	simm.s32 $0x108;
	_ =	swait.ge @!p0 [sflag:s8], $0x0  }
0x24: {  	s3 =	sadd.s32 $0x88, s3;
	s6 =	simm.s32 @!p1 $0x1082;
	[sflag:s4] =	ssyncset.s32 $0xFFFFF086  }
0x25: {  	[simem:s6], [sflag:s4] =	dma.local [hbm:s3], $0xF7A  }
0x26: {  	[smem:$0x3F9B] =	sst s1;
	(tag) =	ssettag s2;
	_ =	strace s9  }
0x27: {  	s1 =	sld [smem:$0x3FAB]  }
0x28: {  	s2 =	sld [smem:$0x3FAC]  }
0x29: {  	s4 =	sld [smem:$0x3FAE]  }
0x2a: {  	p0 =	seq.s32 s5, $0x0;
	s5 =	sld [smem:$0x3FAF]  }
0x2b: {  	s6 =	sld [smem:$0x3FB0]  }
0x2c: {  	s7 =	sld [smem:$0x3FB1]  }
0x2d: {  	s3 =	simm.s32 $0x108;
	s8 =	sld [smem:$0x3FB2]  }
0x2e: {  	s3 =	simm.s32 @!p0 $0x1082;
	s9 =	sld [smem:$0x3FB3]  }
0x2f: {  	lr =	sadd.s32 s0, s3;
	s0 =	sld [smem:$0x3FAA]  }
0x30: {  	s3 =	sld [smem:$0x3FAD]  }
0x31: {  	[smem:$0x3FB6] =	sst s10  }
0x32: {  	s10 =	sld [smem:$0x3FB4];
	_ =	sdelay $0x3  }
0x33: {  	p0 =	seq.s32 s10, $0x1;
	s10 =	sld [smem:$0x3FB6];
	_ =	sdelay $0x3  }
0x34: {  	[smem:$0x3FB6] =	sst s10  }
0x35: {  	s10 =	sld [smem:$0x3FB5];
	_ =	sdelay $0x3  }
0x36: {  	p1 =	seq.s32 s10, $0x1;
	s10 =	sld [smem:$0x3FB6];
	_ =	sdelay $0x3  }
0x37: {  	[smem:$0x3FB6] =	sst s10  }
0x38: {  	s10 =	sld [smem:$0x3FB7]  }
0x39: {  	_ = 	snop;
	(pc) =	sbr.ind lr, $3  }
0x3a: {  	_ = 	snop  }
0x3b: {  	_ = 	snop  }
0x3c: {  	p2 =	seq.s32 s10, $0x1;
	s10 =	sld [smem:$0x3FB6]  }
0x3d: {  	_ =	shalt  }
0x3e: {  	_ =	shalt  }
0x3f: {  	_ =	shalt  }
0x40: {  	_ =	shalt  }
0x41: {  	_ =	shalt  }
0x42: {  	_ =	shalt  }
0x43: {  	_ =	shalt  }
0x44: {  	_ =	shalt  }
0x45: {  	_ =	shalt  }
0x46: {  	_ =	shalt  }
0x47: {  	_ =	shalt  }
0x48: {  	_ =	shalt  }
0x49: {  	_ =	shalt  }
0x4a: {  	_ =	shalt  }
0x4b: {  	_ =	shalt  }
0x4c: {  	_ =	shalt  }
0x4d: {  	_ =	shalt  }
0x4e: {  	_ =	shalt  }
0x4f: {  	_ =	shalt  }
0x50: {  	_ =	shalt  }
0x51: {  	_ =	shalt  }
0x52: {  	_ =	shalt  }
0x53: {  	_ =	shalt  }
0x54: {  	_ =	shalt  }
0x55: {  	_ =	shalt  }
0x56: {  	_ =	shalt  }
0x57: {  	_ =	shalt  }
0x58: {  	_ =	shalt  }
0x59: {  	_ =	shalt  }
0x5a: {  	_ =	shalt  }
0x5b: {  	_ =	shalt  }
0x5c: {  	_ =	shalt  }
0x5d: {  	_ =	shalt  }
0x5e: {  	_ =	shalt  }
0x5f: {  	_ =	shalt  }
0x60: {  	_ =	shalt  }
0x61: {  	_ =	shalt  }
0x62: {  	_ =	shalt  }
0x63: {  	_ =	shalt  }
0x64: {  	_ =	shalt  }
0x65: {  	_ =	shalt  }
0x66: {  	_ =	shalt  }
0x67: {  	_ =	shalt  }
0x68: {  	_ =	shalt  }
0x69: {  	_ =	shalt  }
0x6a: {  	_ =	shalt  }
0x6b: {  	_ =	shalt  }
0x6c: {  	_ =	shalt  }
0x6d: {  	_ =	shalt  }
0x6e: {  	_ =	shalt  }
0x6f: {  	_ =	shalt  }
0x70: {  	_ =	shalt  }
0x71: {  	_ =	shalt  }
0x72: {  	_ =	shalt  }
0x73: {  	_ =	shalt  }
0x74: {  	_ =	shalt  }
0x75: {  	_ =	shalt  }
0x76: {  	_ =	shalt  }
0x77: {  	_ =	shalt  }
0x78: {  	_ =	shalt  }
0x79: {  	_ =	shalt  }
0x7a: {  	_ =	shalt  }
0x7b: {  	_ =	shalt  }
0x7c: {  	_ =	shalt  }
0x7d: {  	_ =	shalt  }
0x7e: {  	_ =	shalt  }
0x7f: {  	_ =	shalt  }
0x80: {  	_ =	shalt  }
0x81: {  	_ =	shalt  }
0x82: {  	_ =	shalt  }
0x83: {  	_ =	shalt  }
0x84: {  	_ =	shalt  }
0x85: {  	_ =	shalt  }
0x86: {  	_ =	shalt  }
0x87: {  	_ =	shalt  }
.Lfunc_end0:
.L_simem_size_0:
called_computation_lowered:
.L_overlay_start_0:
0x88: {  	s2 =	sld [smem:$0x3FD9]  }
0x89: {  	s3 =	sld [smem:$0x3FFE];
	_ =	sdelay $0x1  }
0x8a: {  	s1 =	srdreg.scid  }
0x8b: {  	s0 =	sand.u32 $0x1, s1  }
0x8c: {  	s17 =	sshll.u32 s0, $0xA;
	s2 =	sadd.s32 s3, s2  }
0x8d: {  	s2 =	sadd.s32 s2, s17  }
0x8e: {  	[smem:$0x3FC2] =	sst s2  }
0x8f: {  	_ = 	snop  }
0x90: {  	s2 =	sld [smem:$0x3FD0];
	(tm) =	ssettm $0x1  }
0x91: {  	s18 =	sld [smem:$0x3FFB];
	_ =	sdelay $0x3  }
0x92: {  	_ =	strace s18  }
0x93: {  	s3 =	sld [smem:$0x3FFC];
	_ =	sdelay $0x3  }
0x94: {  	_ =	strace s3  }
0x95: {  	s3 =	sld [smem:$0x3FFD];
	_ =	sdelay $0x3  }
0x96: {  	_ =	strace s3  }
0x97: {  	_ =	strace $0x8FFFFFFF  }
0x98: {  	s19 =	sld [smem:$0x3FDB];
	_ =	sdelay $0x1  }
0x99: {  	s4 =	simm.s32 $_scs_section_size  }
0x9a: {  	s5 =	simm.s32 $_size__tile_overlayer_lowered;
	s6 =	simm.s32 $_tile_overlayer_lowered  }
0x9b: {  	s22 =	simm.s32 $0x1BFF;
	s21 =	sshll.u32 s6, $0x1;
	s3 =	sadd.s32 s4, s19  }
0x9c: {  	s7 =	simm.s32 $0x0;
	s20 =	sshll.u32 s5, $0x1;
	s5 =	sadd.s32 s21, s3  }
0x9d: {  	[timem:s7], [sflag:s22] =	dma.local [hbm:s5], s20  }
0x9e: {  	_ =	swait.ge [sflag:s22], s20  }
0x9f: {  	s4 =	ssub.s32 $0x0, s20;
	[sflag:s22] =	ssyncset.done $0x0  }
0xa0: {  	[sflag:s22] =	ssyncadd.s32 s4;
	_ =	sdelay $0x1  }
0xa1: {  	s23 =	simm.s32 $0x1B8B  }
0xa2: {  	_ =	swait.ge [sflag:s23], $0x1  }
0xa3: {  	[sflag:s23] =	ssyncset.done $0x0  }
0xa4: {  	s25 =	simm.s32 $0x1B8E;
	s24 =	sld [smem:$0x3FFE];
	[sflag:s23] =	ssyncadd.s32 $0xFFFFFFFF  }
0xa5: {  	s26 =	simm.s32 $execute0_lowered;
	[smem:$0x3FD2] =	sst s25  }
0xa6: {  	s5 =	sshll.u32 s26, $0x1;
	_ =	strace $0x80000046;
	[dreg:$0x1] =	wrdreg $0xFFFFFFFF  }
0xa7: {  	s28 =	simm.s32 $_size_execute0_lowered;
	s3 =	sadd.s32 s3, s5;
	[dreg:$0x0] =	wrdreg $0x0  }
0xa8: {  	s5 =	sshll.u32 s28, $0x1;
	[dreg:$0x2] =	wrdreg s3  }
0xa9: {  	[dreg:$0x3] =	wrdreg s5  }
0xaa: {  	[dreg:$0x4] =	wrdreg $0xC0  }
0xab: {  	_ =	task [dreg:s7], $0x5FFFF  }
0xac: {  	[dreg:$0x1] =	wrdreg $0xFFFFFFFF  }
0xad: {  	[dreg:$0x0] =	wrdreg $0x60  }
0xae: {  	[dreg:$0x2] =	wrdreg s2  }
0xaf: {  	[dreg:$0x3] =	wrdreg s24  }
0xb0: {  	[dreg:$0x4] =	wrdreg $0xA3C00  }
0xb1: {  	[dreg:$0x5] =	wrdreg $0x140000  }
0xb2: {  	[dreg:$0x6] =	wrdreg $0x9  }
0xb3: {  	_ =	task.clear_ibuf [dreg:s7], $0x7FFFF;
	_ =	strace $0x90000046  }
0xb4: {  	s29 =	simm.s32 $0x9;
	_ =	strace $0x80000048  }
0xb5: {  	_ =	swait.ge [sflag:s29], $0x1  }
0xb6: {  	[sflag:s29] =	ssyncadd.s32 $0xFFFFFFFF  }
0xb7: {  	_ =	strace $0x90000048  }
0xb8: {  	_ =	sfence  }
0xb9: {  	s30 =	sld [smem:$0x0];
	_ =	sdelay $0x2  }
0xba: {  	s31 =	sshll.u32 s1, $0xD;
	s1 =	sshrl.u32 s1, $0x2  }
0xbb: {  	s3 =	sand.u32 $0x4000, s31;
	s1 =	sadd.s32 s1, s30  }
0xbc: {  	s0 =	sor.u32 s3, s0;
	s1 =	sshll.u32 s1, $0x11  }
0xbd: {  	s0 =	sor.u32 s1, s0  }
0xbe: {  	s0 =	sadd.s32 $0x8F2B, s0  }
0xbf: {  	[sflag:s0] =	ssyncadd.remote.s32 $0x1  }
0xc0: {  	_ =	sfence.sel $0xFFFF  }
0xc1: {  	[dreg:$0x0] =	wrdreg $0xFFFFFFFF;
	(pc) =	sbr.abs _section_cstart, $3  }
0xc2: {  	[dreg:$0x1] =	wrdreg $0xFFFFFFFF  }
0xc3: {  	_ =	task.clear_ibuf [dreg:s7], $0x2FFFF;
	_ =	strace $0x9FFFFFFF  }
0xc4: {  	(tm) =	ssettm $0x7FFFFFFF  }
0xc5: {  	_ =	shalt  }
tec
execute0_lowered:
.L_overlay_start_1:
0x0: {  	(tag) =	ssettag $0x1  }
0x1: {  	s0 =	rddreg [dreg:$0x1]  }
0x2: {  	s14 =	rddreg [dreg:$0x2]  }
0x3: {  	s15 =	rddreg [dreg:$0x3];
	s4 =	simm.s32 $0x0;
	s2 =	srdreg.scid  }
0x4: {  	s1 =	stileid.u32;
	s28 =	simm.s32 $0x3;
	s31 =	simm.s32 $0x4  }
0x5: {  	s29 =	simm.s32 $0xA;
	[smem:$0x7FF] =	sst s4;
	s3 =	smul.u32 $0x270, s1  }
0x6: {  	s5 =	sadd.s32 $0x9E600, s0;
	s6 =	sadd.s32 $0xA3600, s0;
	s10 =	smul.u32 $0x27000, s1  }
0x7: {  	s8 =	sadd.s32 $0xB2400, s0;
	s2 =	sand.u32 $0x1, s2;
	s13 =	smul.u32 $0x9C00, s1  }
0x8: {  	s9 =	sadd.s32 $0xA8600, s0;
	s11 =	sadd.s32 $0xC6000, s0;
	s17 =	smul.u32 $0x13800, s1  }
0x9: {  	s0 =	sadd.s32 $0xBC200, s0;
	p0 =	slt.u32 s1, $0x4;
	s19 =	smul.u32 $0x4E00, s1  }
0xa: {  	_ =	strace $0x80000047;
	s7 =	ssub.s32 $0x2, s2;
	s18 =	sshll.u32 s2, $0x6  }
0xb: {  	s20 =	sshll.u32 s2, $0x4;
	s12 =	sshrl.u32 s7, $0x1;
	s10 =	sshrl.u32 s10, $0x2  }
0xc: {  	s22 =	sshrl.u32 s13, $0x2;
	s23 =	sadd.s32 $0x9C, s3;
	s21 =	sor.u32 s20, s19  }
0xd: {  	s19 =	simm.s32 $0x1;
	s20 =	simm.s32 $0x2;
	s7 =	ssub.s32 s7, s12  }
0xe: {  	s26 =	sadd.s32 s10, s14;
	s30 =	sadd.s32 s22, s15;
	s24 =	sshll.u32 s23, $0x6  }
0xf: {  	s12 =	sshll.u32 s23, $0x4;
	s22 =	sshll.u32 s2, $0x3;
	[dreg:$0x5] =	wrdreg s26  }
0x10: {  	s23 =	sshll.u32 s2, $0x1;
	s10 =	sadd.s32 s24, s14;
	[dreg:$0x6] =	wrdreg s30  }
0x11: {  	s25 =	sadd.s32 s12, s15;
	s12 =	sadd.s32 $0x138, s3;
	[dreg:$0x7] =	wrdreg s10  }
0x12: {  	s3 =	sadd.s32 $0x1D4, s3;
	[dreg:$0x8] =	wrdreg s25;
	s13 =	sshll.u32 s12, $0x6  }
0x13: {  	s10 =	sshll.u32 s12, $0x4;
	s16 =	sshll.u32 s3, $0x6;
	s12 =	sadd.s32 s13, s14  }
0x14: {  	s3 =	sshll.u32 s3, $0x4;
	s10 =	sadd.s32 s10, s15;
	[dreg:$0x9] =	wrdreg s12  }
0x15: {  	s3 =	sadd.s32 s3, s15;
	s13 =	sadd.s32 $0x27000, s15;
	[dreg:$0xa] =	wrdreg s10  }
0x16: {  	s10 =	sadd.s32 s16, s14;
	[dreg:$0xc] =	wrdreg s3;
	s16 =	simm.s32 $0x9D  }
0x17: {  	s3 =	sor.u32 s18, s17;
	s12 =	sshll.u32 s2, $0x2;
	s18 =	smov.u32 s15  }
0x18: {  	[dreg:$0x15] =	wrdreg s13;
	s15 =	simm.s32 $0x80;
	s17 =	simm.s32 $0x3A00  }
0x19: {  	s13 =	simm.s32 $0x8;
	[dreg:$0xb] =	wrdreg s10;
	s16 =	simm.s32 @!p0 $0x9C  }
0x1a: {  	s3 =	sshrl.u32 s3, $0x3;
	s10 =	sadd.s32 s22, s11;
	s22 =	sshll.u32 s1, $0x4  }
0x1b: {  	s3 =	sadd.s32 s11, s3;
	s24 =	sor.u32 $0x100, s22;
	s10 =	sadd.s32 $0x27000, s10  }
0x1c: {  	[dreg:$0xd] =	wrdreg s3;
	s3 =	sshrl.u32 s21, $0x3;
	s21 =	simm.s32 $0x9C  }
0x1d: {  	s25 =	sadd.s32 s8, s24;
	s11 =	sadd.s32 s9, s24;
	[dreg:$0x11] =	wrdreg s10  }
0x1e: {  	s10 =	smax.u32 s7, $0x1;
	s24 =	sadd.s32 s9, s22;
	[dreg:$0xf] =	wrdreg s25  }
0x1f: {  	s7 =	smov.u32 s16;
	s3 =	sadd.s32 s0, s3;
	[dreg:$0x10] =	wrdreg s11  }
0x20: {  	s0 =	sadd.s32 s23, s0;
	s21 =	simm.s32 @!p0 $0x9B;
	[dreg:$0x13] =	wrdreg s10  }
0x21: {  	p0 =	sne.s32 s1, $0x0;
	s11 =	sadd.s32 $0x9C000, s14;
	s14 =	sor.u32 $0x1, s12  }
0x22: {  	s1 =	sor.u32 $0x2, s12;
	s23 =	sadd.s32 s8, s22;
	[dreg:$0x17] =	wrdreg s24  }
0x23: {  	s25 =	sadd.s32 $0xFFFFFFFF, s16;
	s16 =	simm.s32 $0x3980;
	[dreg:$0xe] =	wrdreg s3  }
0x24: {  	s10 =	simm.s32 $0x6;
	s3 =	smul.u32 $0x2710, s2;
	[dreg:$0x14] =	wrdreg s11  }
0x25: {  	v0 =	vmov s12;
	s12 =	simm.s32 $0x9;
	s2 =	sshllo.u32 s2, $0x2;
	[dreg:$0x16] =	wrdreg s23  }
0x26: {  	v5 =	vimm.f32 $0.0e+00;
	s0 =	sadd.s32 $0x9C00, s0;
	[dreg:$0x18] =	wrdreg s25;
	s11 =	simm.s32 $0x7;
	v1 =	vmov s14  }
0x27: {  	v2 =	vmov s1;
	[dreg:$0x12] =	wrdreg s0;
	s0 =	simm.s32 $0x5;
	v3 =	vmov s2;
	s2 =	simm.s32 $0x0;
	v4 =	vmov s3  }
.LBB2_1:
0x28: {  	[dreg:$0x19] =	wrdreg s2;
	s2 =	simm.s32 $0x7320  }
0x29: {  	[tilespmem:s2+$0xFFFFFFE0] =	vst v5  }
0x2a: {  	[tilespmem:s2+$0x10] =	vst v5  }
0x2b: {  	[tilespmem:s2+$0x0] =	vst v5  }
0x2c: {  	s3 =	simm.s32 $0x40;
	s14 =	simm.s32 $0x0;
	[tilespmem:s2+$0xFFFFFFF0] =	vst v5  }
.LBB2_2:
0x2d: {  	p1 =	sne.s32 s3, $0x26C0  }
0x2e: {  	[tilespmem:s14+$0x9A00] =	vst v5;
	s2 =	sadd.s32 $0x40, s2;
	s14 =	smov.u32 s3;
	s3 =	sadd.s32 $0x40, s3  }
.Ltmp0:
0x2f: {  	(pc) =	sbr.rel @p1 .LBB2_2-.Ltmp0, $4  }
0x30: {  	[tilespmem:s2+$0xFFFFFFE0] =	vst v5  }
0x31: {  	[tilespmem:s2+$0x10] =	vst v5  }
0x32: {  	[tilespmem:s2+$0x0] =	vst v5  }
0x33: {  	s14 =	sshra.s32 s14, $0x2;
	[tilespmem:s2+$0xFFFFFFF0] =	vst v5  }
0x34: {  	[tilespmem:s14+$0x9A00] =	vst v5;
	s1 =	simm.s32 $0x7300;
	s3 =	simm.s32 $0xB  }
0x35: {  	[spmem:s26] =	stream.linear.scatter [tilespmem:s1], [sflag:$0xB], $0x2700, $0x38;
	[tilespmem:$0x16710] =	vst v63  }
0x36: {  	_ =	swait.ge [sflag:s3], $0x2700  }
0x37: {  	[sflag:s3] =	ssyncset.done $0x0  }
0x38: {  	s14 =	simm.s32 $0x9A00;
	[sflag:s3] =	ssyncadd.s32 $0xFFFFD900  }
0x39: {  	[spmem:s30] =	stream.linear.scatter [tilespmem:s14], [sflag:$0xB], $0x9C0, $0x38;
	[tilespmem:$0x16710] =	vst v63  }
0x3a: {  	_ =	swait.ge [sflag:s3], $0x9C0  }
0x3b: {  	[sflag:s3] =	ssyncset.done $0x0  }
0x3c: {  	s2 =	rddreg [dreg:$0x7];
	[sflag:s3] =	ssyncadd.s32 $0xFFFFF640  }
0x3d: {  	[spmem:s2] =	stream.linear.scatter [tilespmem:s1], [sflag:$0xB], $0x2700, $0x38;
	[tilespmem:$0x16710] =	vst v63  }
0x3e: {  	_ =	swait.ge [sflag:s3], $0x2700  }
0x3f: {  	[sflag:s3] =	ssyncset.done $0x0  }
0x40: {  	s26 =	rddreg [dreg:$0x8];
	[sflag:s3] =	ssyncadd.s32 $0xFFFFD900  }
0x41: {  	[spmem:s26] =	stream.linear.scatter [tilespmem:s14], [sflag:$0xB], $0x9C0, $0x38;
	[tilespmem:$0x16710] =	vst v63  }
0x42: {  	_ =	swait.ge [sflag:s3], $0x9C0  }
0x43: {  	[sflag:s3] =	ssyncset.done $0x0  }
0x44: {  	s30 =	rddreg [dreg:$0x9];
	[sflag:s3] =	ssyncadd.s32 $0xFFFFF640  }
0x45: {  	[spmem:s30] =	stream.linear.scatter [tilespmem:s1], [sflag:$0xB], $0x2700, $0x38;
	[tilespmem:$0x16710] =	vst v63  }
0x46: {  	_ =	swait.ge [sflag:s3], $0x2700  }
0x47: {  	[sflag:s3] =	ssyncset.done $0x0  }
0x48: {  	s23 =	rddreg [dreg:$0xa];
	[sflag:s3] =	ssyncadd.s32 $0xFFFFD900  }
0x49: {  	[spmem:s23] =	stream.linear.scatter [tilespmem:s14], [sflag:$0xB], $0x9C0, $0x38;
	[tilespmem:$0x16710] =	vst v63  }
0x4a: {  	_ =	swait.ge [sflag:s3], $0x9C0  }
0x4b: {  	[sflag:s3] =	ssyncset.done $0x0  }
0x4c: {  	s24 =	rddreg [dreg:$0xb];
	[sflag:s3] =	ssyncadd.s32 $0xFFFFF640  }
0x4d: {  	[spmem:s24] =	stream.linear.scatter [tilespmem:s1], [sflag:$0xB], $0x2700, $0x38;
	[tilespmem:$0x16710] =	vst v63  }
0x4e: {  	_ =	swait.ge [sflag:s3], $0x2700  }
0x4f: {  	[sflag:s3] =	ssyncset.done $0x0  }
0x50: {  	s25 =	rddreg [dreg:$0xc];
	[sflag:s3] =	ssyncadd.s32 $0xFFFFD900  }
0x51: {  	[spmem:s25] =	stream.linear.scatter [tilespmem:s14], [sflag:$0xB], $0x9C0, $0x38;
	[tilespmem:$0x16710] =	vst v63  }
0x52: {  	_ =	swait.ge [sflag:s3], $0x9C0  }
0x53: {  	[sflag:s3] =	ssyncset.done $0x0  }
0x54: {  	s2 =	simm.s32 @!p0 $0x7300;
	s1 =	rddreg [dreg:$0x14];
	[sflag:s3] =	ssyncadd.s32 $0xFFFFF640  }
0x55: {  	[spmem:s1] =	stream.linear.scatter @!p0 [tilespmem:s2], [sflag:$0xB], $0x400, $0x38;
	[tilespmem:$0x16710] =	vst v63  }
0x56: {  	s2 =	simm.s32 @!p0 $0xB  }
0x57: {  	_ =	swait.ge @!p0 [sflag:s2], $0x400  }
0x58: {  	[sflag:s2] =	ssyncset.done @!p0 $0x0  }
0x59: {  	s3 =	simm.s32 @!p0 $0x9A00;
	s1 =	rddreg [dreg:$0x15];
	[sflag:s2] =	ssyncadd.s32 @!p0 $0xFFFFFC00  }
0x5a: {  	[spmem:s1] =	stream.linear.scatter @!p0 [tilespmem:s3], [sflag:$0xB], $0x100, $0x38;
	[tilespmem:$0x16710] =	vst v63  }
0x5b: {  	_ =	swait.ge @!p0 [sflag:s2], $0x100  }
0x5c: {  	[sflag:s2] =	ssyncset.done @!p0 $0x0  }
0x5d: {  	[sflag:s2] =	ssyncadd.s32 @!p0 $0xFFFFFF00  }
0x5e: {  	[bflag:$0x0] =	sbarrier.arrive $0xFFFF  }
0x5f: {  	s14 =	simm.s32 $0x0;
	s26 =	rddreg [dreg:$0x16]  }
0x60: {  	[tilespmem:s14], [sflag:$0x1] =	stream.linear.gather [hbm4b:s26+s14], $0x80, $0x38;
	[tilespmem:$0x16710] =	vst v63  }
0x61: {  	s30 =	rddreg [dreg:$0x17]  }
0x62: {  	[tilespmem:s15], [sflag:$0x2] =	stream.linear.gather [hbm4b:s30+s14], $0x80, $0x38;
	[tilespmem:$0x16710] =	vst v63  }
0x63: {  	s1 =	rddreg [dreg:$0xf]  }
0x64: {  	[tilespmem:s16], [sflag:$0x6] =	stream.linear.gather [hbm4b:s1+s14], $0x80, $0x38;
	[tilespmem:$0x16710] =	vst v63  }
0x65: {  	s3 =	rddreg [dreg:$0x10]  }
0x66: {  	[tilespmem:s17], [sflag:$0x7] =	stream.linear.gather [hbm4b:s3+s14], $0x80, $0x38;
	[tilespmem:$0x16710] =	vst v63  }
0x67: {  	_ =	swait.ge [sflag:s19], $0x80  }
0x68: {  	[sflag:s19] =	ssyncset.done $0x0  }
0x69: {  	[sflag:s19] =	ssyncadd.s32 $0xFFFFFF80  }
0x6a: {  	_ =	swait.ge [sflag:s20], $0x80  }
0x6b: {  	[sflag:s20] =	ssyncset.done $0x0  }
0x6c: {  	[sflag:s20] =	ssyncadd.s32 $0xFFFFFF80  }
0x6d: {  	v6 =	vld [tilespmem:$0x0]  }
0x6e: {  	v7 =	vld [tilespmem:$0x10]  }
0x6f: {  	v8 =	vld [tilespmem:$0x20]  }
0x70: {  	v9 =	vld [tilespmem:$0x30]  }
0x71: {  	v10 =	vld [tilespmem:$0x40]  }
0x72: {  	v11 =	vld [tilespmem:$0x50];
	v6 =	vadd.s32 v4, v6  }
0x73: {  	[tilespmem:$0x100] =	vst v6;
	v6 =	vadd.s32 v4, v7;
	v7 =	vld [tilespmem:$0x60]  }
0x74: {  	v63 =	vld [tilespmem:$0x70];
	[tilespmem:$0x110] =	vst v6;
	v6 =	vadd.s32 v4, v8  }
0x75: {  	[tilespmem:$0x120] =	vst v6;
	v6 =	vadd.s32 v4, v9  }
0x76: {  	[tilespmem:$0x130] =	vst v6;
	v6 =	vadd.s32 v4, v10  }
0x77: {  	[tilespmem:$0x140] =	vst v6;
	v6 =	vadd.s32 v4, v11  }
0x78: {  	[tilespmem:$0x150] =	vst v6;
	v6 =	vadd.s32 v4, v7  }
0x79: {  	[tilespmem:$0x160] =	vst v6;
	v6 =	vadd.s32 v4, v63  }
0x7a: {  	s23 =	simm.s32 $0x180;
	[tilespmem:$0x170] =	vst v6  }
0x7b: {  	[tilespmem:s23], [sflag:$0x3] =	stream.indirect.gather [hbm4b:s5+s15], $0x10, s14, s15, $0xb8;
	[tilespmem:$0x16710] =	vst v63  }
0x7c: {  	s24 =	simm.s32 $0x980  }
0x7d: {  	[tilespmem:s24], [sflag:$0x4] =	stream.indirect.gather [hbm4b:s6+s15], $0x10, s15, s15, $0xb8;
	[tilespmem:$0x16710] =	vst v63  }
0x7e: {  	s26 =	simm.s32 $0x100;
	s30 =	simm.s32 $0x1180;
	s25 =	rddreg [dreg:$0x0]  }
0x7f: {  	[tilespmem:s30], [sflag:$0x5] =	stream.indirect.gather [hbm4b:s25+s15], $0x40, s26, s15, $0xb8;
	[tilespmem:$0x16710] =	vst v63  }
.LBB2_4:
0x80: {  	_ =	swait.ge [sflag:s28], $0x800  }
0x81: {  	[sflag:s28] =	ssyncset.done $0x0  }
0x82: {  	[sflag:s28] =	ssyncadd.s32 $0xFFFFF800  }
0x83: {  	_ =	swait.ge [sflag:s31], $0x800  }
0x84: {  	[sflag:s31] =	ssyncset.done $0x0  }
0x85: {  	[sflag:s31] =	ssyncadd.s32 $0xFFFFF800  }
0x86: {  	_ =	swait.ge [sflag:s0], $0x2000  }
0x87: {  	[sflag:s0] =	ssyncset.done $0x0  }
0x88: {  	[sflag:s0] =	ssyncadd.s32 $0xFFFFE000  }
0x89: {  	_ =	swait.ge [sflag:s10], $0x80  }
0x8a: {  	[sflag:s10] =	ssyncset.done $0x0  }
0x8b: {  	[sflag:s10] =	ssyncadd.s32 $0xFFFFFF80  }
0x8c: {  	_ =	swait.ge [sflag:s11], $0x80  }
0x8d: {  	[sflag:s11] =	ssyncset.done $0x0  }
0x8e: {  	[sflag:s11] =	ssyncadd.s32 $0xFFFFFF80  }
0x8f: {  	v6 =	vld [tilespmem:$0x3980]  }
0x90: {  	v7 =	vld [tilespmem:$0x3990]  }
0x91: {  	v8 =	vld [tilespmem:$0x39A0]  }
0x92: {  	v9 =	vld [tilespmem:$0x39B0]  }
0x93: {  	v10 =	vld [tilespmem:$0x39C0]  }
0x94: {  	v11 =	vld [tilespmem:$0x39D0];
	v6 =	vadd.s32 v4, v6  }
0x95: {  	[tilespmem:$0x3A80] =	vst v6;
	v6 =	vadd.s32 v4, v7;
	v7 =	vld [tilespmem:$0x39E0]  }
0x96: {  	[tilespmem:$0x3A90] =	vst v6;
	v6 =	vadd.s32 v4, v8;
	v8 =	vld [tilespmem:$0x39F0]  }
0x97: {  	[tilespmem:$0x3AA0] =	vst v6;
	v6 =	vadd.s32 v4, v9  }
0x98: {  	[tilespmem:$0x3AB0] =	vst v6;
	v6 =	vadd.s32 v4, v10  }
0x99: {  	[tilespmem:$0x3AC0] =	vst v6;
	v6 =	vadd.s32 v4, v11  }
0x9a: {  	[tilespmem:$0x3AD0] =	vst v6;
	v6 =	vadd.s32 v4, v7  }
0x9b: {  	[tilespmem:$0x3AE0] =	vst v6;
	v6 =	vadd.s32 v4, v8  }
0x9c: {  	s1 =	simm.s32 $0x3B00;
	[tilespmem:$0x3AF0] =	vst v6  }
0x9d: {  	[tilespmem:s1], [sflag:$0x8] =	stream.indirect.gather [hbm4b:s5+s15], $0x10, s16, s15, $0xb8;
	[tilespmem:$0x16710] =	vst v63  }
0x9e: {  	s25 =	simm.s32 $0x4300;
	s26 =	simm.s32 $0x3A80  }
0x9f: {  	[tilespmem:s25], [sflag:$0x9] =	stream.indirect.gather [hbm4b:s6+s15], $0x10, s17, s15, $0xb8;
	[tilespmem:$0x16710] =	vst v63  }
0xa0: {  	s3 =	simm.s32 $0x4B00;
	s23 =	simm.s32 $0x1A0;
	s2 =	rddreg [dreg:$0x0]  }
0xa1: {  	[tilespmem:s3], [sflag:$0xA] =	stream.indirect.gather [hbm4b:s2+s15], $0x40, s26, s15, $0xb8;
	[tilespmem:$0x16710] =	vst v63  }
0xa2: {  	s24 =	simm.s32 $0x9A0;
	v6 =	vld [tilespmem:s23+$0x10]  }
0xa3: {  	v7 =	vld [tilespmem:s24+$0x10];
	_ =	sdelay $0x4  }
0xa4: {  	v8 =	vld [tilespmem:s24+$0xFFFFFFE0];
	v6 =	vadd.f32 v7, v6  }
0xa5: {  	v9 =	vld [tilespmem:s23+$0xFFFFFFF0]  }
0xa6: {  	v10 =	vld [tilespmem:s24+$0xFFFFFFF0];
	v13 =	vmul.f32 $2.000000030e-01, v6  }
0xa7: {  	v11 =	vld [tilespmem:s23+$0x0];
	vm0 =	vge.f32 v6, $0.0e+00  }
0xa8: {  	v12 =	vld [tilespmem:s24+$0x0];
	v6 =	vsel vm0, v6, v13  }
0xa9: {  	v7 =	vld [tilespmem:s23+$0xFFFFFFE0];
	v6 =	vmul.f32 $1.442695020e+00, v6;
	_ =	sdelay $0x1  }
0xaa: {  	v9 =	vadd.f32 v10, v9;
	(erf) = vpow2.f32 v6;
	_ =	sdelay $0x1  }
0xab: {  	v10 =	vadd.f32 v12, v11;
	v11 =	vmul.f32 $2.000000030e-01, v9  }
0xac: {  	s26 =	simm.s32 $0x1E0;
	vm10 =	vge.f32 v9, $0.0e+00;
	v7 =	vadd.f32 v8, v7  }
0xad: {  	v14 =	vld [tilespmem:s26+$0xFFFFFFF0];
	s23 =	simm.s32 $0x9E0;
	v9 =	vsel vm10, v9, v11;
	v8 =	vmul.f32 $2.000000030e-01, v10  }
0xae: {  	v17 =	vld [tilespmem:s23+$0xFFFFFFF0];
	vm1 =	vge.f32 v10, $0.0e+00;
	v9 =	vmul.f32 $1.442695020e+00, v9;
	v6 =	vmul.f32 $2.000000030e-01, v7  }
0xaf: {  	vm11 =	vge.f32 v7, $0.0e+00;
	v8 =	vsel vm1, v10, v8  }
0xb0: {  	v25 =	vld [tilespmem:s26+$0xFFFFFFE0];
	v6 =	vsel vm11, v7, v6;
	v7 =	vmul.f32 $1.442695020e+00, v8  }
0xb1: {  	v12 =	vld [tilespmem:s23+$0x10];
	(erf) = vpow2.f32 v9;
	v6 =	vmul.f32 $1.442695020e+00, v6  }
0xb2: {  	s25 =	simm.s32 $0x31A0;
	v23 =	vld [tilespmem:s23+$0xFFFFFFE0];
	(erf) = vpow2.f32 v7;
	v9 =	vpop (erf)  }
0xb3: {  	s30 =	simm.s32 $0x1200;
	v14 =	vadd.f32 v17, v14;
	v10 =	vld [tilespmem:s26+$0x10];
	(erf) = vpow2.f32 v6;
	[tilespmem:s25+$0x10] =	vst v9  }
0xb4: {  	v11 =	vld [tilespmem:s30+$0x70]  }
0xb5: {  	v32 =	vmul.f32 $2.000000030e-01, v14  }
0xb6: {  	v8 =	vperm.xlane v9, v0;
	v7 =	vperm.xlane v9, v1  }
0xb7: {  	v23 =	vadd.f32 v23, v25;
	v6 =	vperm.xlane v9, v2;
	v9 =	vperm.xlane v9, v3  }
0xb8: {  	v21 =	vld [tilespmem:s26+$0x0];
	vm13 =	vge.f32 v14, $0.0e+00;
	v10 =	vadd.f32 v12, v10  }
0xb9: {  	v61 =	vmul.f32 $2.000000030e-01, v23;
	v14 =	vsel vm13, v14, v32;
	v11 =	vmul.f32 v9, v11;
	v9 =	vld [tilespmem:s23+$0x0]  }
0xba: {  	v14 =	vmul.f32 $1.442695020e+00, v14;
	v27 =	vmul.f32 $2.000000030e-01, v10;
	v13 =	vpop (erf)  }
0xbb: {  	vm12 =	vge.f32 v10, $0.0e+00;
	v16 =	vperm.xlane v13, v0;
	v18 =	vperm.xlane v13, v1;
	[tilespmem:s25+$0xFFFFFFF0] =	vst v13;
	v15 =	vpop (erf)  }
0xbc: {  	v27 =	vsel vm12, v10, v27;
	v19 =	vperm.xlane v13, v2;
	v26 =	vperm.xlane v13, v3;
	v60 =	vld [tilespmem:s30+$0xFFFFFFC0];
	v20 =	vpop (erf)  }
0xbd: {  	v13 =	vmul.f32 $1.442695020e+00, v27;
	v62 =	vld [tilespmem:s30+$0xFFFFFFE0];
	v29 =	vperm.xlane v15, v0;
	[tilespmem:s25+$0xFFFFFFE0] =	vst v20  }
0xbe: {  	v30 =	vperm.xlane v15, v1;
	v10 =	vperm.xlane v15, v2;
	v28 =	vld [tilespmem:s30+$0xFFFFFF80];
	v21 =	vadd.f32 v9, v21  }
0xbf: {  	vm15 =	vge.f32 v23, $0.0e+00;
	(erf) = vpow2.f32 v13;
	v22 =	vperm.xlane v20, v0;
	v17 =	vld [tilespmem:s30+$0xFFFFFF90]  }
0xc0: {  	v23 =	vsel vm15, v23, v61;
	v12 =	vperm.xlane v20, v1;
	v31 =	vld [tilespmem:s30+$0xFFFFFFA0];
	v33 =	vmul.f32 $2.000000030e-01, v21  }
0xc1: {  	[tilespmem:s25+$0x0] =	vst v15;
	v24 =	vperm.xlane v20, v2;
	v20 =	vperm.xlane v20, v3;
	v59 =	vld [tilespmem:s30+$0xFFFFFFB0];
	vm14 =	vge.f32 v21, $0.0e+00  }
0xc2: {  	v13 =	vld [tilespmem:s30+$0xFFFFFFD0];
	(erf) = vpow2.f32 v14;
	[tilespmem:s30+$0x70] =	vst v11;
	v11 =	vmul.f32 $1.442695020e+00, v23;
	v21 =	vsel vm14, v21, v33  }
0xc3: {  	v63 =	vld [tilespmem:s30+$0x0];
	v9 =	vperm.xlane v15, v3;
	v21 =	vmul.f32 $1.442695020e+00, v21  }
0xc4: {  	v23 =	vld [tilespmem:s30+$0x10];
	v15 =	vmul.f32 v22, v28;
	v12 =	vmul.f32 v12, v17  }
0xc5: {  	v22 =	vld [tilespmem:s30+$0xFFFFFFF0];
	v17 =	vmul.f32 v24, v31;
	(erf) = vpow2.f32 v21  }
0xc6: {  	v14 =	vld [tilespmem:s30+$0x20];
	[tilespmem:s30+$0xFFFFFF80] =	vst v15;
	(erf) = vpow2.f32 v11;
	v11 =	vmul.f32 v20, v59  }
0xc7: {  	[tilespmem:s30+$0xFFFFFF90] =	vst v12;
	v15 =	vld [tilespmem:s30+$0x30];
	v12 =	vmul.f32 v16, v60  }
0xc8: {  	[tilespmem:s30+$0xFFFFFFA0] =	vst v17;
	v17 =	vld [tilespmem:s30+$0x40];
	v16 =	vmul.f32 v29, v63  }
0xc9: {  	s2 =	simm.s32 $0x220;
	[tilespmem:s30+$0xFFFFFFC0] =	vst v12;
	v21 =	vmul.f32 v19, v62;
	v20 =	vmul.f32 v18, v13;
	v18 =	vld [tilespmem:s30+$0x50]  }
0xca: {  	s24 =	simm.s32 $0x1200;
	s26 =	simm.s32 $0x4;
	s25 =	simm.s32 $0x31E0;
	v12 =	vld [tilespmem:s30+$0x60];
	v19 =	vmul.f32 v26, v22;
	v13 =	vmul.f32 v30, v23;
	[tilespmem:s30+$0xFFFFFFB0] =	vst v11;
	v11 =	vpop (erf)  }
.LBB2_5:
0xcb: {  	v22 =	vld [tilespmem:s2+$0x10];
	[tilespmem:s25+$0x10] =	vst v11;
	v23 =	vperm.xlane v11, v0;
	v24 =	vperm.xlane v11, v1;
	s30 =	sadd.s32 $0x100, s30  }
0xcc: {  	v25 =	vperm.xlane v11, v2;
	s23 =	sadd.s32 $0x40, s23;
	v10 =	vmul.f32 v10, v14;
	v26 =	vld [tilespmem:s30+$0x70];
	[tilespmem:s24+$0xFFFFFFD0] =	vst v20  }
0xcd: {  	s26 =	sadd.s32 $0x4, s26;
	v15 =	vmul.f32 v9, v15;
	v14 =	vld [tilespmem:s23+$0x10];
	[tilespmem:s24+$0xFFFFFFE0] =	vst v21;
	v17 =	vmul.f32 v8, v17;
	v8 =	vmov v23  }
0xce: {  	p1 =	slt.u32 s26, $0x7C;
	v20 =	vld [tilespmem:s23+$0xFFFFFFE0];
	v9 =	vpop (erf);
	[tilespmem:s24+$0xFFFFFFF0] =	vst v19;
	v18 =	vmul.f32 v7, v18;
	v7 =	vmov v24  }
0xcf: {  	v11 =	vperm.xlane v11, v3;
	v19 =	vld [tilespmem:s2+$0xFFFFFFF0];
	[tilespmem:s25+$0xFFFFFFF0] =	vst v9;
	v21 =	vperm.xlane v9, v0;
	v23 =	vpop (erf)  }
0xd0: {  	v27 =	vperm.xlane v9, v1;
	v28 =	vperm.xlane v9, v2;
	v24 =	vld [tilespmem:s23+$0xFFFFFFF0];
	[tilespmem:s25+$0x0] =	vst v23;
	v29 =	vpop (erf)  }
0xd1: {  	v30 =	vld [tilespmem:s2+$0x0];
	[tilespmem:s25+$0xFFFFFFE0] =	vst v29;
	v31 =	vperm.xlane v29, v0;
	v11 =	vmul.f32 v11, v26  }
0xd2: {  	v32 =	vperm.xlane v29, v2;
	v26 =	vld [tilespmem:s23+$0x0];
	v14 =	vadd.f32 v14, v22;
	v22 =	vperm.xlane v29, v1;
	[tilespmem:s24+$0x0] =	vst v16  }
0xd3: {  	v33 =	vperm.xlane v9, v3;
	v29 =	vperm.xlane v29, v3;
	v16 =	vld [tilespmem:s2+$0xFFFFFFE0];
	[tilespmem:s30+$0x70] =	vst v11  }
0xd4: {  	v34 =	vperm.xlane v23, v0;
	v9 =	vmul.f32 $2.000000030e-01, v14;
	v11 =	vld [tilespmem:s30+$0xFFFFFF80];
	[tilespmem:s24+$0x10] =	vst v13  }
0xd5: {  	vm0 =	vge.f32 v14, $0.0e+00;
	v13 =	vadd.f32 v24, v19;
	v19 =	vld [tilespmem:s30+$0xFFFFFF90];
	v24 =	vperm.xlane v23, v1;
	[tilespmem:s24+$0x20] =	vst v10  }
0xd6: {  	v10 =	vperm.xlane v23, v2;
	v14 =	vsel vm0, v14, v9;
	v35 =	vld [tilespmem:s30+$0xFFFFFFA0];
	v9 =	vperm.xlane v23, v3;
	[tilespmem:s24+$0x30] =	vst v15  }
0xd7: {  	v15 =	vmul.f32 $2.000000030e-01, v13;
	v23 =	vadd.f32 v26, v30;
	v14 =	vmul.f32 $1.442695020e+00, v14;
	v26 =	vld [tilespmem:s30+$0xFFFFFFB0];
	[tilespmem:s24+$0x40] =	vst v17  }
0xd8: {  	v12 =	vmul.f32 v6, v12;
	v6 =	vmovc v25;
	vm0 =	vge.f32 v13, $0.0e+00;
	v16 =	vadd.f32 v20, v16;
	v17 =	vld [tilespmem:s30+$0xFFFFFFC0];
	[tilespmem:s24+$0x50] =	vst v18  }
0xd9: {  	vm1 =	vge.f32 v23, $0.0e+00;
	v18 =	vmul.f32 $2.000000030e-01, v23;
	(erf) = vpow2.f32 v14;
	v20 =	vld [tilespmem:s30+$0xFFFFFFD0]  }
0xda: {  	v13 =	vsel vm0, v13, v15;
	vm2 =	vge.f32 v16, $0.0e+00;
	v14 =	vmul.f32 $2.000000030e-01, v16;
	v25 =	vld [tilespmem:s30+$0xFFFFFFE0];
	[tilespmem:s24+$0x60] =	vst v12;
	s24 =	smov.u32 s30  }
0xdb: {  	v11 =	vmul.f32 v31, v11;
	v12 =	vmul.f32 $1.442695020e+00, v13;
	v13 =	vsel vm1, v23, v18;
	v18 =	vld [tilespmem:s30+$0xFFFFFFF0]  }
0xdc: {  	v15 =	vmul.f32 v22, v19;
	v14 =	vsel vm2, v16, v14;
	v13 =	vmul.f32 $1.442695020e+00, v13;
	v16 =	vld [tilespmem:s30+$0x0]  }
0xdd: {  	v19 =	vmul.f32 $1.442695020e+00, v14;
	(erf) = vpow2.f32 v12;
	[tilespmem:s30+$0xFFFFFF80] =	vst v11;
	v12 =	vld [tilespmem:s30+$0x10]  }
.Ltmp1:
0xde: {  	v11 =	vmul.f32 v32, v35;
	(erf) = vpow2.f32 v13;
	[tilespmem:s30+$0xFFFFFF90] =	vst v15;
	v14 =	vld [tilespmem:s30+$0x20];
	(pc) =	sbr.rel @p1 .LBB2_5-.Ltmp1, $4  }
0xdf: {  	v13 =	vmul.f32 v29, v26;
	(erf) = vpow2.f32 v19;
	v15 =	vld [tilespmem:s30+$0x30]  }
0xe0: {  	v22 =	vmul.f32 v21, v17;
	v20 =	vmul.f32 v27, v20;
	[tilespmem:s30+$0xFFFFFFA0] =	vst v11;
	v17 =	vld [tilespmem:s30+$0x40]  }
0xe1: {  	v21 =	vmul.f32 v28, v25;
	v19 =	vmul.f32 v33, v18;
	[tilespmem:s30+$0xFFFFFFB0] =	vst v13;
	v18 =	vld [tilespmem:s30+$0x50]  }
0xe2: {  	s25 =	sadd.s32 $0x40, s25;
	s2 =	sadd.s32 $0x40, s2;
	v16 =	vmul.f32 v34, v16;
	v11 =	vpop (erf);
	[tilespmem:s30+$0xFFFFFFC0] =	vst v22;
	v13 =	vmul.f32 v24, v12;
	v12 =	vld [tilespmem:s30+$0x60]  }
0xe3: {  	[tilespmem:s25+$0x10] =	vst v11  }
0xe4: {  	[tilespmem:s24+$0xFFFFFFD0] =	vst v20  }
0xe5: {  	[tilespmem:s24+$0xFFFFFFE0] =	vst v21  }
0xe6: {  	[tilespmem:s24+$0xFFFFFFF0] =	vst v19  }
0xe7: {  	v10 =	vmul.f32 v10, v14;
	[tilespmem:s24+$0x0] =	vst v16;
	v20 =	vpop (erf)  }
0xe8: {  	[tilespmem:s24+$0x10] =	vst v13;
	v21 =	vpop (erf)  }
0xe9: {  	s2 =	sadd.s32 $0x100, s30;
	v9 =	vmul.f32 v9, v15;
	[tilespmem:s24+$0x20] =	vst v10;
	v23 =	vpop (erf)  }
0xea: {  	v22 =	vld [tilespmem:s2+$0x70];
	[tilespmem:s25+$0xFFFFFFE0] =	vst v23  }
0xeb: {  	v8 =	vmul.f32 v8, v17;
	[tilespmem:s24+$0x30] =	vst v9;
	v14 =	vld [tilespmem:s2+$0xFFFFFF80]  }
0xec: {  	[tilespmem:s25+$0xFFFFFFF0] =	vst v20;
	v13 =	vld [tilespmem:s2+$0xFFFFFF90]  }
0xed: {  	v19 =	vperm.xlane v11, v3;
	v7 =	vmul.f32 v7, v18;
	[tilespmem:s24+$0x40] =	vst v8;
	v10 =	vld [tilespmem:s2+$0xFFFFFFA0]  }
0xee: {  	v6 =	vmul.f32 v6, v12;
	[tilespmem:s25+$0x0] =	vst v21;
	v15 =	vperm.xlane v23, v0;
	v9 =	vld [tilespmem:s2+$0xFFFFFFB0]  }
0xef: {  	v8 =	vld [tilespmem:s2+$0xFFFFFFC0];
	[tilespmem:s24+$0x50] =	vst v7;
	v19 =	vmul.f32 v19, v22;
	v16 =	vperm.xlane v23, v1  }
0xf0: {  	v7 =	vld [tilespmem:s2+$0xFFFFFFD0];
	v12 =	vperm.xlane v23, v2;
	[tilespmem:s24+$0x60] =	vst v6;
	v14 =	vmul.f32 v15, v14  }
0xf1: {  	v17 =	vld [tilespmem:s2+$0xFFFFFFE0];
	[tilespmem:s2+$0x70] =	vst v19;
	v15 =	vperm.xlane v23, v3;
	v6 =	vmul.f32 v16, v13  }
0xf2: {  	v13 =	vperm.xlane v20, v0;
	v16 =	vld [tilespmem:s2+$0xFFFFFFF0];
	v10 =	vmul.f32 v12, v10;
	[tilespmem:s2+$0xFFFFFF80] =	vst v14  }
0xf3: {  	v12 =	vperm.xlane v20, v1;
	v14 =	vld [tilespmem:s2+$0x0];
	[tilespmem:s2+$0xFFFFFF90] =	vst v6;
	v6 =	vmul.f32 v15, v9  }
0xf4: {  	v9 =	vperm.xlane v20, v2;
	v15 =	vld [tilespmem:s2+$0x10];
	[tilespmem:s2+$0xFFFFFFA0] =	vst v10;
	v8 =	vmul.f32 v13, v8  }
0xf5: {  	v10 =	vperm.xlane v20, v3;
	v13 =	vld [tilespmem:s2+$0x20];
	v7 =	vmul.f32 v12, v7;
	[tilespmem:s2+$0xFFFFFFB0] =	vst v6  }
0xf6: {  	v12 =	vld [tilespmem:s2+$0x30];
	v6 =	vperm.xlane v21, v0;
	v9 =	vmul.f32 v9, v17;
	[tilespmem:s2+$0xFFFFFFC0] =	vst v8  }
0xf7: {  	v8 =	vperm.xlane v21, v1;
	v17 =	vld [tilespmem:s2+$0x40];
	[tilespmem:s2+$0xFFFFFFD0] =	vst v7;
	v10 =	vmul.f32 v10, v16  }
0xf8: {  	v7 =	vperm.xlane v21, v2;
	v16 =	vld [tilespmem:s2+$0x50];
	[tilespmem:s2+$0xFFFFFFE0] =	vst v9;
	v6 =	vmul.f32 v6, v14  }
0xf9: {  	v9 =	vperm.xlane v21, v3;
	v8 =	vmul.f32 v8, v15;
	v14 =	vld [tilespmem:s2+$0x60];
	[tilespmem:s2+$0xFFFFFFF0] =	vst v10  }
0xfa: {  	v10 =	vperm.xlane v11, v0;
	v7 =	vmul.f32 v7, v13;
	[tilespmem:s2+$0x0] =	vst v6  }
0xfb: {  	v9 =	vmul.f32 v9, v12;
	v6 =	vperm.xlane v11, v1;
	[tilespmem:s2+$0x10] =	vst v8  }
0xfc: {  	v8 =	vperm.xlane v11, v2;
	v10 =	vmul.f32 v10, v17;
	[tilespmem:s2+$0x20] =	vst v7  }
0xfd: {  	[tilespmem:s2+$0x30] =	vst v9;
	v6 =	vmul.f32 v6, v16  }
0xfe: {  	s30 =	sshll.u32 s14, $0x1;
	[tilespmem:s2+$0x40] =	vst v10;
	v7 =	vmul.f32 v8, v14  }
0xff: {  	p1 =	sge.u32 s30, s7;
	[tilespmem:s2+$0x50] =	vst v6  }
0x100: {  	s3 =	simm.s32 @!p1 $0x3180;
	[tilespmem:s2+$0x60] =	vst v7;
	s2 =	simm.s32 @!p1 $0x80  }
0x101: {  	[spmem:s18] =	stream.indirect.scatter.add.f32 @!p1 [tilespmem:s3], [sflag:$0xB], $0x10, s2, s2, $0xb8;
	[tilespmem:$0x16710] =	vst v63  }
0x102: {  	s3 =	simm.s32 @!p1 $0xB  }
0x103: {  	_ =	swait.ge @!p1 [sflag:s3], $0x800  }
0x104: {  	[sflag:s3] =	ssyncset.done @!p1 $0x0  }
0x105: {  	[sflag:s3] =	ssyncadd.s32 @!p1 $0xFFFFF800  }
0x106: {  	s26 =	sadd.s32 $0x2, s30;
	s23 =	simm.s32 @!p1 $0x1180;
	s1 =	rddreg [dreg:$0x2]  }
0x107: {  	[spmem:s1] =	stream.indirect.scatter.add.f32 @!p1 [tilespmem:s23], [sflag:$0xB], $0x40, s2, s2, $0xb8;
	[tilespmem:$0x16710] =	vst v63  }
0x108: {  	s2 =	smin.u32 s26, s21  }
0x109: {  	_ =	swait.ge @!p1 [sflag:s3], $0x2000;
	s2 =	sshll.u32 s2, $0x8  }
0x10a: {  	[sflag:s3] =	ssyncset.done @!p1 $0x0;
	s2 =	sor.u32 s22, s2  }
0x10b: {  	[sflag:s3] =	ssyncadd.s32 @!p1 $0xFFFFE000;
	s1 =	sadd.s32 s8, s2  }
0x10c: {  	[tilespmem:s4], [sflag:$0x1] =	stream.linear.gather [hbm4b:s1+s4], $0x80, $0x38;
	[tilespmem:$0x16710] =	vst v63  }
0x10d: {  	s2 =	sadd.s32 s9, s2  }
0x10e: {  	[tilespmem:s15], [sflag:$0x2] =	stream.linear.gather [hbm4b:s2+s4], $0x80, $0x38;
	[tilespmem:$0x16710] =	vst v63  }
0x10f: {  	_ =	swait.ge [sflag:s13], $0x800  }
0x110: {  	[sflag:s13] =	ssyncset.done $0x0  }
0x111: {  	[sflag:s13] =	ssyncadd.s32 $0xFFFFF800  }
0x112: {  	_ =	swait.ge [sflag:s12], $0x800  }
0x113: {  	[sflag:s12] =	ssyncset.done $0x0  }
0x114: {  	[sflag:s12] =	ssyncadd.s32 $0xFFFFF800  }
0x115: {  	_ =	swait.ge [sflag:s29], $0x2000  }
0x116: {  	[sflag:s29] =	ssyncset.done $0x0  }
0x117: {  	[sflag:s29] =	ssyncadd.s32 $0xFFFFE000  }
0x118: {  	_ =	swait.ge [sflag:s19], $0x80  }
0x119: {  	[sflag:s19] =	ssyncset.done $0x0  }
0x11a: {  	[sflag:s19] =	ssyncadd.s32 $0xFFFFFF80  }
0x11b: {  	_ =	swait.ge [sflag:s20], $0x80  }
0x11c: {  	[sflag:s20] =	ssyncset.done $0x0  }
0x11d: {  	[sflag:s20] =	ssyncadd.s32 $0xFFFFFF80  }
0x11e: {  	v6 =	vld [tilespmem:$0x0]  }
0x11f: {  	v7 =	vld [tilespmem:$0x10]  }
0x120: {  	v8 =	vld [tilespmem:$0x20]  }
0x121: {  	v9 =	vld [tilespmem:$0x30]  }
0x122: {  	v10 =	vld [tilespmem:$0x40]  }
0x123: {  	v11 =	vld [tilespmem:$0x50];
	v6 =	vadd.s32 v4, v6  }
0x124: {  	[tilespmem:$0x100] =	vst v6;
	v6 =	vadd.s32 v4, v7;
	v7 =	vld [tilespmem:$0x60]  }
0x125: {  	[tilespmem:$0x110] =	vst v6;
	v6 =	vadd.s32 v4, v8;
	v8 =	vld [tilespmem:$0x70]  }
0x126: {  	[tilespmem:$0x120] =	vst v6;
	v6 =	vadd.s32 v4, v9  }
0x127: {  	[tilespmem:$0x130] =	vst v6;
	v6 =	vadd.s32 v4, v10  }
0x128: {  	[tilespmem:$0x140] =	vst v6;
	v6 =	vadd.s32 v4, v11  }
0x129: {  	[tilespmem:$0x150] =	vst v6;
	v6 =	vadd.s32 v4, v7  }
0x12a: {  	[tilespmem:$0x160] =	vst v6;
	v6 =	vadd.s32 v4, v8  }
0x12b: {  	s3 =	simm.s32 $0x180;
	[tilespmem:$0x170] =	vst v6  }
0x12c: {  	[tilespmem:s3], [sflag:$0x3] =	stream.indirect.gather [hbm4b:s5+s15], $0x10, s4, s15, $0xb8;
	[tilespmem:$0x16710] =	vst v63  }
0x12d: {  	s25 =	simm.s32 $0x100;
	s23 =	simm.s32 $0x980  }
0x12e: {  	[tilespmem:s23], [sflag:$0x4] =	stream.indirect.gather [hbm4b:s6+s15], $0x10, s15, s15, $0xb8;
	[tilespmem:$0x16710] =	vst v63  }
0x12f: {  	s26 =	simm.s32 $0x1180;
	s24 =	rddreg [dreg:$0x0];
	s23 =	simm.s32 $0x3B20  }
0x130: {  	[tilespmem:s26], [sflag:$0x5] =	stream.indirect.gather [hbm4b:s24+s15], $0x40, s25, s15, $0xb8;
	[tilespmem:$0x16710] =	vst v63  }
0x131: {  	s24 =	simm.s32 $0x4320;
	v6 =	vld [tilespmem:s23+$0x10]  }
0x132: {  	v7 =	vld [tilespmem:s24+$0x10];
	_ =	sdelay $0x4  }
0x133: {  	v8 =	vld [tilespmem:s24+$0xFFFFFFE0];
	v6 =	vadd.f32 v7, v6  }
0x134: {  	v9 =	vld [tilespmem:s23+$0xFFFFFFF0]  }
0x135: {  	v10 =	vld [tilespmem:s24+$0xFFFFFFF0];
	v13 =	vmul.f32 $2.000000030e-01, v6  }
0x136: {  	v11 =	vld [tilespmem:s23+$0x0];
	vm0 =	vge.f32 v6, $0.0e+00  }
0x137: {  	v12 =	vld [tilespmem:s24+$0x0];
	v6 =	vsel vm0, v6, v13  }
0x138: {  	v7 =	vld [tilespmem:s23+$0xFFFFFFE0];
	v6 =	vmul.f32 $1.442695020e+00, v6;
	_ =	sdelay $0x1  }
0x139: {  	v9 =	vadd.f32 v10, v9;
	(erf) = vpow2.f32 v6;
	_ =	sdelay $0x1  }
0x13a: {  	v10 =	vadd.f32 v12, v11;
	v11 =	vmul.f32 $2.000000030e-01, v9  }
0x13b: {  	s26 =	simm.s32 $0x3B60;
	vm10 =	vge.f32 v9, $0.0e+00;
	v7 =	vadd.f32 v8, v7  }
0x13c: {  	s24 =	simm.s32 $0x4360;
	v14 =	vld [tilespmem:s26+$0xFFFFFFF0];
	v9 =	vsel vm10, v9, v11;
	v8 =	vmul.f32 $2.000000030e-01, v10  }
0x13d: {  	v17 =	vld [tilespmem:s24+$0xFFFFFFF0];
	vm1 =	vge.f32 v10, $0.0e+00;
	v9 =	vmul.f32 $1.442695020e+00, v9;
	v6 =	vmul.f32 $2.000000030e-01, v7  }
0x13e: {  	vm11 =	vge.f32 v7, $0.0e+00;
	v8 =	vsel vm1, v10, v8  }
0x13f: {  	v25 =	vld [tilespmem:s26+$0xFFFFFFE0];
	v6 =	vsel vm11, v7, v6;
	v7 =	vmul.f32 $1.442695020e+00, v8  }
0x140: {  	v23 =	vld [tilespmem:s24+$0xFFFFFFE0];
	(erf) = vpow2.f32 v9;
	v6 =	vmul.f32 $1.442695020e+00, v6  }
0x141: {  	s25 =	simm.s32 $0x6B20;
	v12 =	vld [tilespmem:s24+$0x10];
	(erf) = vpow2.f32 v7;
	v9 =	vpop (erf)  }
0x142: {  	s23 =	simm.s32 $0x4B80;
	v14 =	vadd.f32 v17, v14;
	v10 =	vld [tilespmem:s26+$0x10];
	(erf) = vpow2.f32 v6;
	[tilespmem:s25+$0x10] =	vst v9  }
0x143: {  	v11 =	vld [tilespmem:s23+$0x70]  }
0x144: {  	v32 =	vmul.f32 $2.000000030e-01, v14  }
0x145: {  	v8 =	vperm.xlane v9, v0;
	v7 =	vperm.xlane v9, v1  }
0x146: {  	v23 =	vadd.f32 v23, v25;
	v6 =	vperm.xlane v9, v2;
	v9 =	vperm.xlane v9, v3  }
0x147: {  	v21 =	vld [tilespmem:s26+$0x0];
	vm13 =	vge.f32 v14, $0.0e+00;
	v10 =	vadd.f32 v12, v10  }
0x148: {  	v61 =	vmul.f32 $2.000000030e-01, v23;
	v14 =	vsel vm13, v14, v32;
	v11 =	vmul.f32 v9, v11;
	v9 =	vld [tilespmem:s24+$0x0]  }
0x149: {  	v14 =	vmul.f32 $1.442695020e+00, v14;
	v27 =	vmul.f32 $2.000000030e-01, v10;
	v13 =	vpop (erf)  }
0x14a: {  	vm12 =	vge.f32 v10, $0.0e+00;
	v16 =	vperm.xlane v13, v0;
	v18 =	vperm.xlane v13, v1;
	[tilespmem:s25+$0xFFFFFFF0] =	vst v13;
	v15 =	vpop (erf)  }
0x14b: {  	v27 =	vsel vm12, v10, v27;
	v19 =	vperm.xlane v13, v2;
	v26 =	vperm.xlane v13, v3;
	v60 =	vld [tilespmem:s23+$0xFFFFFFC0];
	v20 =	vpop (erf)  }
0x14c: {  	v13 =	vmul.f32 $1.442695020e+00, v27;
	v62 =	vld [tilespmem:s23+$0xFFFFFFE0];
	v29 =	vperm.xlane v15, v0;
	[tilespmem:s25+$0xFFFFFFE0] =	vst v20  }
0x14d: {  	v30 =	vperm.xlane v15, v1;
	v10 =	vperm.xlane v15, v2;
	v28 =	vld [tilespmem:s23+$0xFFFFFF80];
	v21 =	vadd.f32 v9, v21  }
0x14e: {  	vm15 =	vge.f32 v23, $0.0e+00;
	(erf) = vpow2.f32 v13;
	v22 =	vperm.xlane v20, v0;
	v17 =	vld [tilespmem:s23+$0xFFFFFF90]  }
0x14f: {  	v23 =	vsel vm15, v23, v61;
	v12 =	vperm.xlane v20, v1;
	v31 =	vld [tilespmem:s23+$0xFFFFFFA0];
	v33 =	vmul.f32 $2.000000030e-01, v21  }
0x150: {  	[tilespmem:s25+$0x0] =	vst v15;
	v24 =	vperm.xlane v20, v2;
	v20 =	vperm.xlane v20, v3;
	v59 =	vld [tilespmem:s23+$0xFFFFFFB0];
	vm14 =	vge.f32 v21, $0.0e+00  }
0x151: {  	v13 =	vld [tilespmem:s23+$0xFFFFFFD0];
	(erf) = vpow2.f32 v14;
	[tilespmem:s23+$0x70] =	vst v11;
	v11 =	vmul.f32 $1.442695020e+00, v23;
	v21 =	vsel vm14, v21, v33  }
0x152: {  	v63 =	vld [tilespmem:s23+$0x0];
	v9 =	vperm.xlane v15, v3;
	v21 =	vmul.f32 $1.442695020e+00, v21  }
0x153: {  	v23 =	vld [tilespmem:s23+$0x10];
	v15 =	vmul.f32 v22, v28;
	v12 =	vmul.f32 v12, v17  }
0x154: {  	v22 =	vld [tilespmem:s23+$0xFFFFFFF0];
	v17 =	vmul.f32 v24, v31;
	(erf) = vpow2.f32 v21  }
0x155: {  	v14 =	vld [tilespmem:s23+$0x20];
	[tilespmem:s23+$0xFFFFFF80] =	vst v15;
	(erf) = vpow2.f32 v11;
	v11 =	vmul.f32 v20, v59  }
0x156: {  	[tilespmem:s23+$0xFFFFFF90] =	vst v12;
	v15 =	vld [tilespmem:s23+$0x30];
	v12 =	vmul.f32 v16, v60  }
0x157: {  	[tilespmem:s23+$0xFFFFFFA0] =	vst v17;
	v17 =	vld [tilespmem:s23+$0x40];
	v16 =	vmul.f32 v29, v63  }
0x158: {  	s2 =	simm.s32 $0x4;
	[tilespmem:s23+$0xFFFFFFC0] =	vst v12;
	v21 =	vmul.f32 v19, v62;
	v20 =	vmul.f32 v18, v13;
	v18 =	vld [tilespmem:s23+$0x50]  }
0x159: {  	s3 =	simm.s32 $0x3BA0;
	s26 =	simm.s32 $0x6B60;
	s25 =	simm.s32 $0x4B80;
	v12 =	vld [tilespmem:s23+$0x60];
	v19 =	vmul.f32 v26, v22;
	v13 =	vmul.f32 v30, v23;
	[tilespmem:s23+$0xFFFFFFB0] =	vst v11;
	v11 =	vpop (erf)  }
.LBB2_7:
0x15a: {  	v22 =	vld [tilespmem:s3+$0x10];
	[tilespmem:s26+$0x10] =	vst v11;
	v23 =	vperm.xlane v11, v0;
	v24 =	vperm.xlane v11, v1;
	s23 =	sadd.s32 $0x100, s23  }
0x15b: {  	v25 =	vperm.xlane v11, v2;
	s24 =	sadd.s32 $0x40, s24;
	v10 =	vmul.f32 v10, v14;
	v26 =	vld [tilespmem:s23+$0x70];
	[tilespmem:s25+$0xFFFFFFD0] =	vst v20  }
0x15c: {  	s2 =	sadd.s32 $0x4, s2;
	v15 =	vmul.f32 v9, v15;
	v14 =	vld [tilespmem:s24+$0x10];
	[tilespmem:s25+$0xFFFFFFE0] =	vst v21;
	v17 =	vmul.f32 v8, v17;
	v8 =	vmov v23  }
0x15d: {  	p1 =	slt.u32 s2, $0x7C;
	v20 =	vld [tilespmem:s24+$0xFFFFFFE0];
	v9 =	vpop (erf);
	[tilespmem:s25+$0xFFFFFFF0] =	vst v19;
	v18 =	vmul.f32 v7, v18;
	v7 =	vmov v24  }
0x15e: {  	v11 =	vperm.xlane v11, v3;
	v19 =	vld [tilespmem:s3+$0xFFFFFFF0];
	[tilespmem:s26+$0xFFFFFFF0] =	vst v9;
	v21 =	vperm.xlane v9, v0;
	v23 =	vpop (erf)  }
0x15f: {  	v27 =	vperm.xlane v9, v1;
	v28 =	vperm.xlane v9, v2;
	v24 =	vld [tilespmem:s24+$0xFFFFFFF0];
	[tilespmem:s26+$0x0] =	vst v23;
	v29 =	vpop (erf)  }
0x160: {  	v30 =	vld [tilespmem:s3+$0x0];
	[tilespmem:s26+$0xFFFFFFE0] =	vst v29;
	v31 =	vperm.xlane v29, v0;
	v11 =	vmul.f32 v11, v26  }
0x161: {  	v32 =	vperm.xlane v29, v2;
	v26 =	vld [tilespmem:s24+$0x0];
	v14 =	vadd.f32 v14, v22;
	v22 =	vperm.xlane v29, v1;
	[tilespmem:s25+$0x0] =	vst v16  }
0x162: {  	v33 =	vperm.xlane v9, v3;
	v29 =	vperm.xlane v29, v3;
	v16 =	vld [tilespmem:s3+$0xFFFFFFE0];
	[tilespmem:s23+$0x70] =	vst v11  }
0x163: {  	v34 =	vperm.xlane v23, v0;
	v9 =	vmul.f32 $2.000000030e-01, v14;
	v11 =	vld [tilespmem:s23+$0xFFFFFF80];
	[tilespmem:s25+$0x10] =	vst v13  }
0x164: {  	vm0 =	vge.f32 v14, $0.0e+00;
	v13 =	vadd.f32 v24, v19;
	v19 =	vld [tilespmem:s23+$0xFFFFFF90];
	v24 =	vperm.xlane v23, v1;
	[tilespmem:s25+$0x20] =	vst v10  }
0x165: {  	v10 =	vperm.xlane v23, v2;
	v14 =	vsel vm0, v14, v9;
	v35 =	vld [tilespmem:s23+$0xFFFFFFA0];
	v9 =	vperm.xlane v23, v3;
	[tilespmem:s25+$0x30] =	vst v15  }
0x166: {  	v15 =	vmul.f32 $2.000000030e-01, v13;
	v23 =	vadd.f32 v26, v30;
	v14 =	vmul.f32 $1.442695020e+00, v14;
	v26 =	vld [tilespmem:s23+$0xFFFFFFB0];
	[tilespmem:s25+$0x40] =	vst v17  }
0x167: {  	v12 =	vmul.f32 v6, v12;
	v6 =	vmovc v25;
	vm0 =	vge.f32 v13, $0.0e+00;
	v16 =	vadd.f32 v20, v16;
	v17 =	vld [tilespmem:s23+$0xFFFFFFC0];
	[tilespmem:s25+$0x50] =	vst v18  }
0x168: {  	vm1 =	vge.f32 v23, $0.0e+00;
	v18 =	vmul.f32 $2.000000030e-01, v23;
	(erf) = vpow2.f32 v14;
	v20 =	vld [tilespmem:s23+$0xFFFFFFD0]  }
0x169: {  	v13 =	vsel vm0, v13, v15;
	vm2 =	vge.f32 v16, $0.0e+00;
	v14 =	vmul.f32 $2.000000030e-01, v16;
	v25 =	vld [tilespmem:s23+$0xFFFFFFE0];
	[tilespmem:s25+$0x60] =	vst v12;
	s25 =	smov.u32 s23  }
0x16a: {  	v11 =	vmul.f32 v31, v11;
	v12 =	vmul.f32 $1.442695020e+00, v13;
	v13 =	vsel vm1, v23, v18;
	v18 =	vld [tilespmem:s23+$0xFFFFFFF0]  }
0x16b: {  	v15 =	vmul.f32 v22, v19;
	v14 =	vsel vm2, v16, v14;
	v13 =	vmul.f32 $1.442695020e+00, v13;
	v16 =	vld [tilespmem:s23+$0x0]  }
0x16c: {  	v19 =	vmul.f32 $1.442695020e+00, v14;
	(erf) = vpow2.f32 v12;
	[tilespmem:s23+$0xFFFFFF80] =	vst v11;
	v12 =	vld [tilespmem:s23+$0x10]  }
.Ltmp2:
0x16d: {  	v11 =	vmul.f32 v32, v35;
	(erf) = vpow2.f32 v13;
	[tilespmem:s23+$0xFFFFFF90] =	vst v15;
	v14 =	vld [tilespmem:s23+$0x20];
	(pc) =	sbr.rel @p1 .LBB2_7-.Ltmp2, $4  }
0x16e: {  	v13 =	vmul.f32 v29, v26;
	(erf) = vpow2.f32 v19;
	v15 =	vld [tilespmem:s23+$0x30]  }
0x16f: {  	v22 =	vmul.f32 v21, v17;
	v20 =	vmul.f32 v27, v20;
	[tilespmem:s23+$0xFFFFFFA0] =	vst v11;
	v17 =	vld [tilespmem:s23+$0x40]  }
0x170: {  	v21 =	vmul.f32 v28, v25;
	v19 =	vmul.f32 v33, v18;
	[tilespmem:s23+$0xFFFFFFB0] =	vst v13;
	v18 =	vld [tilespmem:s23+$0x50]  }
0x171: {  	s26 =	sadd.s32 $0x40, s26;
	s3 =	sadd.s32 $0x40, s3;
	v16 =	vmul.f32 v34, v16;
	v11 =	vpop (erf);
	[tilespmem:s23+$0xFFFFFFC0] =	vst v22;
	v13 =	vmul.f32 v24, v12;
	v12 =	vld [tilespmem:s23+$0x60]  }
0x172: {  	[tilespmem:s26+$0x10] =	vst v11  }
0x173: {  	[tilespmem:s25+$0xFFFFFFD0] =	vst v20  }
0x174: {  	[tilespmem:s25+$0xFFFFFFE0] =	vst v21  }
0x175: {  	[tilespmem:s25+$0xFFFFFFF0] =	vst v19  }
0x176: {  	v10 =	vmul.f32 v10, v14;
	[tilespmem:s25+$0x0] =	vst v16  }
0x177: {  	[tilespmem:s25+$0x10] =	vst v13  }
0x178: {  	s2 =	sadd.s32 $0x100, s23;
	v9 =	vmul.f32 v9, v15;
	[tilespmem:s25+$0x20] =	vst v10;
	v35 =	vpop (erf)  }
0x179: {  	v22 =	vld [tilespmem:s2+$0x70];
	v7 =	vmul.f32 v7, v18;
	[tilespmem:s26+$0xFFFFFFF0] =	vst v35  }
0x17a: {  	[tilespmem:s25+$0x30] =	vst v9;
	v37 =	vpop (erf);
	v44 =	vld [tilespmem:s2+$0xFFFFFFC0]  }
0x17b: {  	v8 =	vmul.f32 v8, v17;
	v23 =	vpop (erf);
	[tilespmem:s25+$0x50] =	vst v7;
	v7 =	vld [tilespmem:s2+$0xFFFFFFD0]  }
0x17c: {  	v36 =	vperm.xlane v11, v3;
	v47 =	vld [tilespmem:s2+$0xFFFFFFE0];
	[tilespmem:s26+$0xFFFFFFE0] =	vst v23  }
0x17d: {  	[tilespmem:s25+$0x40] =	vst v8;
	v6 =	vmul.f32 v6, v12;
	v48 =	vperm.xlane v35, v0;
	v39 =	vld [tilespmem:s2+$0xFFFFFF90]  }
0x17e: {  	v50 =	vperm.xlane v35, v1;
	[tilespmem:s26+$0x0] =	vst v37;
	v19 =	vmul.f32 v36, v22;
	v38 =	vld [tilespmem:s2+$0xFFFFFF80]  }
0x17f: {  	v52 =	vperm.xlane v35, v2;
	[tilespmem:s25+$0x60] =	vst v6;
	v42 =	vld [tilespmem:s2+$0xFFFFFFB0];
	v8 =	vmul.f32 v48, v44  }
0x180: {  	v43 =	vperm.xlane v23, v1;
	v40 =	vld [tilespmem:s2+$0xFFFFFFA0];
	[tilespmem:s2+$0x70] =	vst v19;
	v7 =	vmul.f32 v50, v7  }
0x181: {  	v41 =	vperm.xlane v23, v0;
	v53 =	vld [tilespmem:s2+$0x10];
	v9 =	vmul.f32 v52, v47;
	[tilespmem:s2+$0xFFFFFFC0] =	vst v8  }
0x182: {  	v46 =	vperm.xlane v23, v3;
	v56 =	vld [tilespmem:s2+$0x30];
	v6 =	vmul.f32 v43, v39;
	[tilespmem:s2+$0xFFFFFFD0] =	vst v7  }
0x183: {  	v45 =	vperm.xlane v23, v2;
	v51 =	vld [tilespmem:s2+$0x0];
	v14 =	vmul.f32 v41, v38;
	[tilespmem:s2+$0xFFFFFFE0] =	vst v9  }
0x184: {  	v49 =	vld [tilespmem:s2+$0xFFFFFFF0];
	v57 =	vperm.xlane v37, v1;
	[tilespmem:s2+$0xFFFFFF90] =	vst v6;
	v6 =	vmul.f32 v46, v42  }
0x185: {  	v60 =	vperm.xlane v37, v3;
	v55 =	vld [tilespmem:s2+$0x20];
	v10 =	vmul.f32 v45, v40;
	[tilespmem:s2+$0xFFFFFF80] =	vst v14  }
0x186: {  	v58 =	vld [tilespmem:s2+$0x40];
	v8 =	vmul.f32 v57, v53;
	[tilespmem:s2+$0xFFFFFFB0] =	vst v6;
	v6 =	vperm.xlane v37, v0  }
0x187: {  	v59 =	vld [tilespmem:s2+$0x50];
	v54 =	vperm.xlane v35, v3;
	v9 =	vmul.f32 v60, v56;
	[tilespmem:s2+$0xFFFFFFA0] =	vst v10  }
0x188: {  	v7 =	vperm.xlane v37, v2;
	[tilespmem:s2+$0x10] =	vst v8;
	v6 =	vmul.f32 v6, v51  }
0x189: {  	v62 =	vperm.xlane v11, v0;
	v10 =	vmul.f32 v54, v49;
	[tilespmem:s2+$0x30] =	vst v9  }
0x18a: {  	v61 =	vld [tilespmem:s2+$0x60];
	v7 =	vmul.f32 v7, v55;
	[tilespmem:s2+$0x0] =	vst v6;
	v6 =	vperm.xlane v11, v1  }
0x18b: {  	[tilespmem:s2+$0xFFFFFFF0] =	vst v10;
	v10 =	vmul.f32 v62, v58  }
0x18c: {  	[tilespmem:s2+$0x20] =	vst v7;
	v6 =	vmul.f32 v6, v59  }
0x18d: {  	v63 =	vperm.xlane v11, v2;
	[tilespmem:s2+$0x40] =	vst v10  }
0x18e: {  	[tilespmem:s2+$0x50] =	vst v6  }
0x18f: {  	v7 =	vmul.f32 v63, v61;
	s1 =	rddreg [dreg:$0x18]  }
0x190: {  	p1 =	sge.u32 s30, s1  }
0x191: {  	[tilespmem:s2+$0x60] =	vst v7;
	s2 =	simm.s32 @!p1 $0x80;
	s3 =	simm.s32 @!p1 $0x3A00;
	s23 =	simm.s32 @!p1 $0x6B00  }
0x192: {  	[spmem:s18] =	stream.indirect.scatter.add.f32 @!p1 [tilespmem:s23], [sflag:$0xB], $0x10, s3, s2, $0xb8;
	[tilespmem:$0x16710] =	vst v63  }
0x193: {  	s23 =	simm.s32 @!p1 $0xB  }
0x194: {  	_ =	swait.ge @!p1 [sflag:s23], $0x800  }
0x195: {  	[sflag:s23] =	ssyncset.done @!p1 $0x0  }
0x196: {  	[sflag:s23] =	ssyncadd.s32 @!p1 $0xFFFFF800  }
0x197: {  	s24 =	simm.s32 @!p1 $0x4B00;
	s1 =	rddreg [dreg:$0x2]  }
0x198: {  	[spmem:s1] =	stream.indirect.scatter.add.f32 @!p1 [tilespmem:s24], [sflag:$0xB], $0x40, s3, s2, $0xb8;
	[tilespmem:$0x16710] =	vst v63  }
0x199: {  	s26 =	sadd.s32 $0x3, s30;
	_ =	swait.ge @!p1 [sflag:s23], $0x2000  }
0x19a: {  	s14 =	sadd.s32 $0x1, s14;
	s2 =	smin.u32 s26, s21;
	[sflag:s23] =	ssyncset.done @!p1 $0x0  }
0x19b: {  	s2 =	sshll.u32 s2, $0x8;
	[sflag:s23] =	ssyncadd.s32 @!p1 $0xFFFFE000;
	p1 =	sne.s32 s14, $0x4F  }
.Ltmp3:
0x19c: {  	s2 =	sor.u32 s22, s2;
	(pc) =	sbr.rel @p1 .LBB2_4-.Ltmp3, $4  }
0x19d: {  	s30 =	sadd.s32 s8, s2  }
0x19e: {  	[tilespmem:s16], [sflag:$0x6] =	stream.linear.gather [hbm4b:s30+s4], $0x80, $0x38;
	[tilespmem:$0x16710] =	vst v63  }
0x19f: {  	s2 =	sadd.s32 s9, s2  }
0x1a0: {  	[tilespmem:s17], [sflag:$0x7] =	stream.linear.gather [hbm4b:s2+s4], $0x80, $0x38;
	[tilespmem:$0x16710] =	vst v63  }
0x1a1: {  	s2 =	stileid.u32;
	[bflag:$0x0] =	sbarrier.arrive $0xFFFF;
	s1 =	simm.s32 $0x10  }
0x1a2: {  	s25 =	simm.s32 $0xB;
	s2 =	sshll.u32 s2, $0x6;
	s26 =	rddreg [dreg:$0x5]  }
0x1a3: {  	s14 =	rddreg [dreg:$0xd];
	s2 =	sor.u32 $0x1C0B, s2;
	s3 =	sshrl.u32 s26, $0x3  }
0x1a4: {  	[hbm:s14@s1], [sflag:s2] =	dma.strided [spmem:s3@s13], $0x1380, s19, $0x8   }
0x1a5: {  	_ =	swait.ge [sflag:s25], $0x1380  }
0x1a6: {  	[sflag:s25] =	ssyncset.done $0x0;
	s30 =	rddreg [dreg:$0x6]  }
0x1a7: {  	s23 =	rddreg [dreg:$0xe];
	[sflag:s25] =	ssyncadd.s32 $0xFFFFEC80;
	s14 =	sshrl.u32 s30, $0x3  }
0x1a8: {  	[hbm:s23@s31], [sflag:s2] =	dma.strided [spmem:s14@s20], $0x4E0, s19, $0x2   }
0x1a9: {  	s24 =	simm.s32 @!p0 $0x8;
	s14 =	simm.s32 @!p0 $0x1;
	_ =	swait.ge [sflag:s25], $0x4E0  }
0x1aa: {  	s23 =	simm.s32 @!p0 $0x10;
	[sflag:s25] =	ssyncset.done $0x0;
	s1 =	rddreg [dreg:$0x14]  }
0x1ab: {  	[sflag:s25] =	ssyncadd.s32 $0xFFFFFB20;
	s3 =	sshrl.u32 @!p0 s1, $0x3;
	s25 =	rddreg [dreg:$0x11]  }
0x1ac: {  	[hbm:s25@s23], [sflag:s2] =	dma.strided @!p0 [spmem:s3@s24], $0x80, s14, $0x8   }
0x1ad: {  	s3 =	simm.s32 @!p0 $0xB  }
0x1ae: {  	s24 =	simm.s32 @!p0 $0x4;
	_ =	swait.ge @!p0 [sflag:s3], $0x80  }
0x1af: {  	s25 =	simm.s32 @!p0 $0x2;
	[sflag:s3] =	ssyncset.done @!p0 $0x0;
	s1 =	rddreg [dreg:$0x15]  }
0x1b0: {  	[sflag:s3] =	ssyncadd.s32 @!p0 $0xFFFFFF80;
	s23 =	sshrl.u32 @!p0 s1, $0x3;
	s1 =	rddreg [dreg:$0x12]  }
0x1b1: {  	[hbm:s1@s24], [sflag:s2] =	dma.strided @!p0 [spmem:s23@s25], $0x20, s14, $0x2   }
0x1b2: {  	_ =	swait.ge @!p0 [sflag:s3], $0x20  }
0x1b3: {  	s24 =	rddreg [dreg:$0x19]  }
0x1b4: {  	s25 =	rddreg [dreg:$0x13];
	s2 =	sadd.s32 $0x1, s24  }
0x1b5: {  	p1 =	sne.s32 s2, s25  }
.Ltmp4:
0x1b6: {  	_ = 	snop;
	(pc) =	sbr.rel @p1 .LBB2_1-.Ltmp4, $3  }
0x1b7: {  	_ =	sdelay $0x1  }
0x1b8: {  	[sflag:s3] =	ssyncset.done @!p0 $0x0  }
0x1b9: {  	[sflag:s3] =	ssyncadd.s32 @!p0 $0xFFFFFFE0  }
0x1ba: {  	_ =	sfence.sel $0x180000  }
0x1bb: {  	[bflag:$0x0] =	sbarrier.arrive $0xFFFF  }
0x1bc: {  	_ =	strace $0x90000047  }
0x1bd: {  	[bflag:$0x2] =	sbarrier.arrive $0xFFFF  }
0x1be: {  	s0 =	rddreg [dreg:$0x4]  }
0x1bf: {  	s0 =	sadd.s32 @!p0 $0x100000, s0  }
0x1c0: {  	[sflag:s0] =	ssyncadd.tile.s32 @!p0 $0x1;
	_ =	shalt  }
.Lfunc_end2:
_tile_overlayer_lowered:
.L_overlay_start_2:
0x1c1: {  	(tag) =	ssettag $0x2  }
0x1c2: {  	s0 =	rddreg [dreg:$0x0];
	s2 =	stileid.u32  }
0x1c3: {  	s1 =	rddreg [dreg:$0x1];
	p0 =	sne.s32 s2, $0x0  }
0x1c4: {  	s3 =	rddreg [dreg:$0x2];
	[bflag:$0x3] =	sbarrier.arrive $0xFFFF;
	s2 =	simm.s32 @!p0 $0x1C0B  }
0x1c5: {  	[timem:s3], [sflag:s2] =	dma.local @!p0 [hbm:s0], s1  }
0x1c6: {  	s0 =	simm.s32 @!p0 $0xB  }
0x1c7: {  	_ =	swait.ge @!p0 [sflag:s0], s1  }
0x1c8: {  	s1 =	ssub.s32 @!p0 $0x0, s1;
	[sflag:s0] =	ssyncset.done @!p0 $0x0  }
0x1c9: {  	[sflag:s0] =	ssyncadd.s32 @!p0 s1  }
0x1ca: {  	[bflag:$0x3] =	sbarrier.arrive $0xFFFF  }
0x1cb: {  	_ =	shalt  }

</sc_bundles>
